<compile_context>
chip_gen: v7x
topology: tpu7x:2x2x1
jax: 0.10.2.dev20260603
libtpu: 0.0.44.dev20260713+nightly
codegen_flags: <defaults>
</compile_context>

<pallas_src>
import functools

import jax
import jax.numpy as jnp
from jax import lax
from jax.experimental import pallas as pl
from jax.experimental.pallas import tpu as pltpu
from jax.experimental.pallas import tpu_sc as plsc

_LEVELS = 1024
_TS = 64
_D = 10240
_N = 64
_NW = 32
_SPW = _N // _NW
_LANES = 16
_CHUNKS = _D // _LANES
_UNROLL = 4

_COLS = (1, 2, 3, 0)


def _sc_body(idx_hbm, lx_hbm, ly_hbm, lz_hbm, tt_hbm,
             out_hbm, idx_v, x0, y0, z0, t0, x1, y1, z1, t1, acc, sem0, sem1):
    w = lax.axis_index("s") * 2 + lax.axis_index("c")
    pltpu.sync_copy(idx_hbm.at[w], idx_v)
    tabs = (lx_hbm, ly_hbm, lz_hbm, tt_hbm)
    waits0 = [
        pltpu.async_copy(tab.at[idx_v.at[0, pl.ds(c, 1)]], r, sem0)
        for c, tab, r in zip(_COLS, tabs, (x0, y0, z0, t0))
    ]
    waits1 = [
        pltpu.async_copy(tab.at[idx_v.at[1, pl.ds(c, 1)]], r, sem1)
        for c, tab, r in zip(_COLS, tabs, (x1, y1, z1, t1))
    ]
    for h in waits0:
        h.wait()

    @plsc.parallel_loop(0, _CHUNKS, 1, unroll=_UNROLL)
    def _loop0(i):
        s = pl.ds(i * _LANES, _LANES)
        acc[s] = (x0[0, s] + y0[0, s] + z0[0, s]) * t0[0, s]

    for h in waits1:
        h.wait()

    @plsc.parallel_loop(0, _CHUNKS, 1, unroll=_UNROLL)
    def _loop1(i):
        s = pl.ds(i * _LANES, _LANES)
        acc[s] = acc[s] * ((x1[0, s] + y1[0, s] + z1[0, s]) * t1[0, s])

    pltpu.sync_copy(acc, out_hbm.at[w])


def _sc_partials(idx, lx, ly, lz, tt):
    mesh = plsc.VectorSubcoreMesh(core_axis_name="c", subcore_axis_name="s")
    f = pl.kernel(
        _sc_body,
        out_type=jax.ShapeDtypeStruct((_NW, _D), jnp.float32),
        mesh=mesh,
        scratch_types=[
            pltpu.VMEM((_SPW, 4), jnp.int32),
            pltpu.VMEM((1, _D), jnp.float32),
            pltpu.VMEM((1, _D), jnp.float32),
            pltpu.VMEM((1, _D), jnp.float32),
            pltpu.VMEM((1, _D), jnp.float32),
            pltpu.VMEM((1, _D), jnp.float32),
            pltpu.VMEM((1, _D), jnp.float32),
            pltpu.VMEM((1, _D), jnp.float32),
            pltpu.VMEM((1, _D), jnp.float32),
            pltpu.VMEM((_D,), jnp.float32),
            pltpu.SemaphoreType.DMA,
            pltpu.SemaphoreType.DMA,
        ],
    )
    return f(idx, lx, ly, lz, tt)


def _fb_body(f_ref, w_ref, b_ref, o_ref):
    p = jnp.dot(f_ref[...], w_ref[...], preferred_element_type=jnp.float32)
    o_ref[...] = jnp.cos(p + b_ref[...]) * jnp.sin(p)


def _comb_body(p_ref, fb_ref, o_ref):
    tot = p_ref[0]
    for i in range(1, _NW):
        tot = tot * p_ref[i]
    o_ref[...] = jnp.where(tot * fb_ref[...] > 0, 1.0, -1.0).astype(jnp.float32)


def _tc_fbind(feat, wt, b):
    return pl.pallas_call(
        _fb_body,
        out_shape=jax.ShapeDtypeStruct((_D,), jnp.float32),
    )(feat, wt, b)


def _tc_combine(partials, fbind):
    return pl.pallas_call(
        _comb_body,
        out_shape=jax.ShapeDtypeStruct((_D,), jnp.float32),
    )(partials, fbind)


def kernel(input, feat, level_x, level_y, level_z, time_table, W, b):
    lows = jnp.array([0.0, -5.0, -5.0, -5.0], dtype=jnp.float32)
    spans = jnp.array([float(_TS), 10.0, 10.0, 10.0], dtype=jnp.float32)
    scales = jnp.array([_TS - 1.0, _LEVELS - 1.0, _LEVELS - 1.0, _LEVELS - 1.0],
                       dtype=jnp.float32)
    idx = jnp.round(
        jnp.clip((input - lows) / spans, 0.0, 1.0) * scales
    ).astype(jnp.int32).reshape(_NW, _SPW, 4)

    partials = _sc_partials(idx, level_x, level_y, level_z, time_table)
    fbind = _tc_fbind(feat, W.T, b)
    return _tc_combine(partials, fbind)

# --- scband reference (transcript-rebuilt; emitter-appended) ---
"""Pipeline reference for scband-hdc-level-encoder-4063039062489 (READ-ONLY COPY).

The authoritative reference and input builder live on the scoring server;
editing this copy changes nothing except your own understanding.
"""

import jax, jax.numpy as jnp
import numpy as np

LEVELS = 1024
TIMESTAMPS = 64
D = 10240
LOW = -5.0
HIGH = 5.0

def _bipolar(key, shape):
    return jnp.where(jax.random.uniform(key, shape) > 0.5, 1.0, -1.0).astype(jnp.float32)

def setup_inputs(seed: int = 0) -> dict:
    key = jax.random.key(seed)
    ks = jax.random.split(key, 8)
    inp = jax.random.normal(ks[0], (64, 4), dtype=jnp.float32)
    feat = jax.random.normal(ks[1], (6,), dtype=jnp.float32)
    level_x = _bipolar(ks[2], (LEVELS, D))
    level_y = _bipolar(ks[3], (LEVELS, D))
    level_z = _bipolar(ks[4], (LEVELS, D))
    time_table = _bipolar(ks[5], (TIMESTAMPS, D))
    W = jax.random.normal(ks[6], (D, 6), dtype=jnp.float32)
    b = jax.random.uniform(ks[7], (D,), minval=0.0, maxval=2.0 * np.pi, dtype=jnp.float32)
    return {"input": inp, "feat": feat, "level_x": level_x, "level_y": level_y, "level_z": level_z, "time_table": time_table, "W": W, "b": b}

def _value_to_index(v, low, high, n):
    # torchhd.functional.value_to_index: map continuous value to level index
    return jnp.round(jnp.clip((v - low) / (high - low), 0.0, 1.0) * (n - 1)).astype(jnp.int32)

def reference(input, feat, level_x, level_y, level_z, time_table, W, b):
    x_signal = jnp.clip(input[:, 1], LOW, HIGH)
    y_signal = jnp.clip(input[:, 2], LOW, HIGH)
    z_signal = jnp.clip(input[:, 3], LOW, HIGH)
    # embeddings.Level: quantize to index, gather level hypervector
    x_levels = jnp.take(level_x, _value_to_index(x_signal, LOW, HIGH, LEVELS), axis=0)
    y_levels = jnp.take(level_y, _value_to_index(y_signal, LOW, HIGH, LEVELS), axis=0)
    z_levels = jnp.take(level_z, _value_to_index(z_signal, LOW, HIGH, LEVELS), axis=0)
    times = jnp.take(time_table, _value_to_index(input[:, 0], 0.0, float(TIMESTAMPS), TIMESTAMPS), axis=0)
    sample_hvs = (x_levels + y_levels + z_levels) * times  # [N, D]
    # torchhd.multibind for MAP tensors = elementwise product over the hv-stack dim
    sample_hv = jnp.prod(sample_hvs, axis=0)  # [D]
    # embeddings.Sinusoid: cos(xW^T + b) * sin(xW^T)
    projected = feat @ W.T  # [D]
    sample_f_hv = jnp.cos(projected + b) * jnp.sin(projected)
    sample_hv = sample_hv * sample_f_hv
    # torchhd.hard_quantize
    sample_hv = jnp.where(sample_hv > 0, 1.0, -1.0).astype(jnp.float32)
    return sample_hv.reshape(-1)

if __name__ == "__main__":
    import jax
    _d = setup_inputs()
    print(jax.jit(kernel)(*tuple(_d.values())))

</pallas_src>

<mosaic_0001>
#map = affine_map<(d0, d1) -> (0, 0, 0)>
#map1 = affine_map<(d0, d1) -> (0, 0)>
module attributes {stable_mosaic.version = 14 : i64} {
  func.func @_sc_body(%arg0: i32, %arg1: i32, %arg2: memref<32x2x4xi32, #tpu.memory_space<hbm>>, %arg3: memref<1024x10240xf32, #tpu.memory_space<hbm>>, %arg4: memref<1024x10240xf32, #tpu.memory_space<hbm>>, %arg5: memref<1024x10240xf32, #tpu.memory_space<hbm>>, %arg6: memref<64x10240xf32, #tpu.memory_space<hbm>>, %arg7: memref<32x10240xf32, #tpu.memory_space<hbm>>, %arg8: memref<2x4xi32, #tpu.memory_space<vmem>>, %arg9: memref<1x10240xf32, #tpu.memory_space<vmem>>, %arg10: memref<1x10240xf32, #tpu.memory_space<vmem>>, %arg11: memref<1x10240xf32, #tpu.memory_space<vmem>>, %arg12: memref<1x10240xf32, #tpu.memory_space<vmem>>, %arg13: memref<1x10240xf32, #tpu.memory_space<vmem>>, %arg14: memref<1x10240xf32, #tpu.memory_space<vmem>>, %arg15: memref<1x10240xf32, #tpu.memory_space<vmem>>, %arg16: memref<1x10240xf32, #tpu.memory_space<vmem>>, %arg17: memref<10240xf32, #tpu.memory_space<vmem>>, %arg18: memref<!tpu.dma_semaphore, #tpu.memory_space<semaphore_mem>>, %arg19: memref<!tpu.dma_semaphore, #tpu.memory_space<semaphore_mem>>) attributes {dimension_semantics = [#tpu.dimension_semantics<core_parallel>, #tpu.dimension_semantics<subcore_parallel>], iteration_bounds = array<i64: 2, 16>, scalar_prefetch = 0 : i64, scratch_operands = 12 : i64, tpu.core_type = #tpu.core_type<sc_vector_subcore>, window_params = [{transform_indices = #map}, {transform_indices = #map1}, {transform_indices = #map1}, {transform_indices = #map1}, {transform_indices = #map1}, {transform_indices = #map1}]} {
    %mul3A = arith.constant 2 : i32
    %mul3A_0 = arith.muli %arg1, %mul3A : i32
    %add3A = arith.addi %mul3A_0, %arg0 : i32
    "tpu.region"() ({
      %run_scoped3A = tpu.sem_alloc : memref<!tpu.dma_semaphore, #tpu.memory_space<semaphore_mem>>
      %dma_start3A_116 = arith.constant 0 : i32
      %dma_start3A_117 = arith.constant 0 : i32
      %dma_start3A_118 = tpu.memref_slice %arg2[%add3A, %dma_start3A_116, %dma_start3A_117] : memref<32x2x4xi32, #tpu.memory_space<hbm>> -> memref<1x2x4xi32, #tpu.memory_space<hbm>>
      %dma_start3A_119 = tpu.memref_squeeze %dma_start3A_118 : memref<1x2x4xi32, #tpu.memory_space<hbm>> -> memref<2x4xi32, #tpu.memory_space<hbm>>
      %dma_start3A_120 = arith.constant 0 : i32
      %dma_start3A_121 = arith.constant 0 : i32
      %dma_start3A_122 = tpu.memref_slice %arg2[%add3A, %dma_start3A_120, %dma_start3A_121] : memref<32x2x4xi32, #tpu.memory_space<hbm>> -> memref<1x2x4xi32, #tpu.memory_space<hbm>>
      %dma_start3A_123 = tpu.memref_squeeze %dma_start3A_122 : memref<1x2x4xi32, #tpu.memory_space<hbm>> -> memref<2x4xi32, #tpu.memory_space<hbm>>
      tpu.enqueue_dma source(%dma_start3A_123 : memref<2x4xi32, #tpu.memory_space<hbm>>) target(%arg8 : memref<2x4xi32, #tpu.memory_space<vmem>>) target_semaphore(%run_scoped3A : memref<!tpu.dma_semaphore, #tpu.memory_space<semaphore_mem>>)
      %dma_wait3A_124 = arith.constant 0 : i32
      %dma_wait3A_125 = arith.constant 0 : i32
      %dma_wait3A_126 = tpu.memref_slice %arg2[%add3A, %dma_wait3A_124, %dma_wait3A_125] : memref<32x2x4xi32, #tpu.memory_space<hbm>> -> memref<1x2x4xi32, #tpu.memory_space<hbm>>
      %dma_wait3A_127 = tpu.memref_squeeze %dma_wait3A_126 : memref<1x2x4xi32, #tpu.memory_space<hbm>> -> memref<2x4xi32, #tpu.memory_space<hbm>>
      %dma_wait3A_128 = arith.constant 0 : i32
      %dma_wait3A_129 = arith.constant 0 : i32
      %dma_wait3A_130 = tpu.memref_slice %arg2[%add3A, %dma_wait3A_128, %dma_wait3A_129] : memref<32x2x4xi32, #tpu.memory_space<hbm>> -> memref<1x2x4xi32, #tpu.memory_space<hbm>>
      %dma_wait3A_131 = tpu.memref_squeeze %dma_wait3A_130 : memref<1x2x4xi32, #tpu.memory_space<hbm>> -> memref<2x4xi32, #tpu.memory_space<hbm>>
      tpu.wait_dma2 semaphore(%run_scoped3A : memref<!tpu.dma_semaphore, #tpu.memory_space<semaphore_mem>>) src(%dma_wait3A_131 : memref<2x4xi32, #tpu.memory_space<hbm>>) dst(%arg8 : memref<2x4xi32, #tpu.memory_space<vmem>>)
      tpu.yield
    }) : () -> ()
    %dma_start3A = arith.constant 0 : i32
    %dma_start3A_1 = arith.constant 1 : i32
    %dma_start3A_2 = tpu.memref_slice %arg8[%dma_start3A, %dma_start3A_1] : memref<2x4xi32, #tpu.memory_space<vmem>> -> memref<1x1xi32, #tpu.memory_space<vmem>>
    %dma_start3A_3 = tpu.memref_squeeze %dma_start3A_2 : memref<1x1xi32, #tpu.memory_space<vmem>> -> memref<1xi32, #tpu.memory_space<vmem>>
    %dma_start3A_4 = arith.constant 0 : i32
    %dma_start3A_5 = arith.constant 0 : i32
    %dma_start3A_6 = tpu.memref_slice %arg3[%dma_start3A_4, %dma_start3A_5] : memref<1024x10240xf32, #tpu.memory_space<hbm>> -> memref<1024x10240xf32, #tpu.memory_space<hbm>>
    tpu.enqueue_indirect_dma source(%dma_start3A_6 : memref<1024x10240xf32, #tpu.memory_space<hbm>>) target(%arg9 : memref<1x10240xf32, #tpu.memory_space<vmem>>) offsets(%dma_start3A_3 : memref<1xi32, #tpu.memory_space<vmem>>) semaphore(%arg18 : memref<!tpu.dma_semaphore, #tpu.memory_space<semaphore_mem>>)
    %dma_start3A_7 = arith.constant 0 : i32
    %dma_start3A_8 = arith.constant 2 : i32
    %dma_start3A_9 = tpu.memref_slice %arg8[%dma_start3A_7, %dma_start3A_8] : memref<2x4xi32, #tpu.memory_space<vmem>> -> memref<1x1xi32, #tpu.memory_space<vmem>>
    %dma_start3A_10 = tpu.memref_squeeze %dma_start3A_9 : memref<1x1xi32, #tpu.memory_space<vmem>> -> memref<1xi32, #tpu.memory_space<vmem>>
    %dma_start3A_11 = arith.constant 0 : i32
    %dma_start3A_12 = arith.constant 0 : i32
    %dma_start3A_13 = tpu.memref_slice %arg4[%dma_start3A_11, %dma_start3A_12] : memref<1024x10240xf32, #tpu.memory_space<hbm>> -> memref<1024x10240xf32, #tpu.memory_space<hbm>>
    tpu.enqueue_indirect_dma source(%dma_start3A_13 : memref<1024x10240xf32, #tpu.memory_space<hbm>>) target(%arg10 : memref<1x10240xf32, #tpu.memory_space<vmem>>) offsets(%dma_start3A_10 : memref<1xi32, #tpu.memory_space<vmem>>) semaphore(%arg18 : memref<!tpu.dma_semaphore, #tpu.memory_space<semaphore_mem>>)
    %dma_start3A_14 = arith.constant 0 : i32
    %dma_start3A_15 = arith.constant 3 : i32
    %dma_start3A_16 = tpu.memref_slice %arg8[%dma_start3A_14, %dma_start3A_15] : memref<2x4xi32, #tpu.memory_space<vmem>> -> memref<1x1xi32, #tpu.memory_space<vmem>>
    %dma_start3A_17 = tpu.memref_squeeze %dma_start3A_16 : memref<1x1xi32, #tpu.memory_space<vmem>> -> memref<1xi32, #tpu.memory_space<vmem>>
    %dma_start3A_18 = arith.constant 0 : i32
    %dma_start3A_19 = arith.constant 0 : i32
    %dma_start3A_20 = tpu.memref_slice %arg5[%dma_start3A_18, %dma_start3A_19] : memref<1024x10240xf32, #tpu.memory_space<hbm>> -> memref<1024x10240xf32, #tpu.memory_space<hbm>>
    tpu.enqueue_indirect_dma source(%dma_start3A_20 : memref<1024x10240xf32, #tpu.memory_space<hbm>>) target(%arg11 : memref<1x10240xf32, #tpu.memory_space<vmem>>) offsets(%dma_start3A_17 : memref<1xi32, #tpu.memory_space<vmem>>) semaphore(%arg18 : memref<!tpu.dma_semaphore, #tpu.memory_space<semaphore_mem>>)
    %dma_start3A_21 = arith.constant 0 : i32
    %dma_start3A_22 = arith.constant 0 : i32
    %dma_start3A_23 = tpu.memref_slice %arg8[%dma_start3A_21, %dma_start3A_22] : memref<2x4xi32, #tpu.memory_space<vmem>> -> memref<1x1xi32, #tpu.memory_space<vmem>>
    %dma_start3A_24 = tpu.memref_squeeze %dma_start3A_23 : memref<1x1xi32, #tpu.memory_space<vmem>> -> memref<1xi32, #tpu.memory_space<vmem>>
    %dma_start3A_25 = arith.constant 0 : i32
    %dma_start3A_26 = arith.constant 0 : i32
    %dma_start3A_27 = tpu.memref_slice %arg6[%dma_start3A_25, %dma_start3A_26] : memref<64x10240xf32, #tpu.memory_space<hbm>> -> memref<64x10240xf32, #tpu.memory_space<hbm>>
    tpu.enqueue_indirect_dma source(%dma_start3A_27 : memref<64x10240xf32, #tpu.memory_space<hbm>>) target(%arg12 : memref<1x10240xf32, #tpu.memory_space<vmem>>) offsets(%dma_start3A_24 : memref<1xi32, #tpu.memory_space<vmem>>) semaphore(%arg18 : memref<!tpu.dma_semaphore, #tpu.memory_space<semaphore_mem>>)
    %dma_start3A_28 = arith.constant 1 : i32
    %dma_start3A_29 = arith.constant 1 : i32
    %dma_start3A_30 = tpu.memref_slice %arg8[%dma_start3A_28, %dma_start3A_29] : memref<2x4xi32, #tpu.memory_space<vmem>> -> memref<1x1xi32, #tpu.memory_space<vmem>>
    %dma_start3A_31 = tpu.memref_squeeze %dma_start3A_30 : memref<1x1xi32, #tpu.memory_space<vmem>> -> memref<1xi32, #tpu.memory_space<vmem>>
    %dma_start3A_32 = arith.constant 0 : i32
    %dma_start3A_33 = arith.constant 0 : i32
    %dma_start3A_34 = tpu.memref_slice %arg3[%dma_start3A_32, %dma_start3A_33] : memref<1024x10240xf32, #tpu.memory_space<hbm>> -> memref<1024x10240xf32, #tpu.memory_space<hbm>>
    tpu.enqueue_indirect_dma source(%dma_start3A_34 : memref<1024x10240xf32, #tpu.memory_space<hbm>>) target(%arg13 : memref<1x10240xf32, #tpu.memory_space<vmem>>) offsets(%dma_start3A_31 : memref<1xi32, #tpu.memory_space<vmem>>) semaphore(%arg19 : memref<!tpu.dma_semaphore, #tpu.memory_space<semaphore_mem>>)
    %dma_start3A_35 = arith.constant 1 : i32
    %dma_start3A_36 = arith.constant 2 : i32
    %dma_start3A_37 = tpu.memref_slice %arg8[%dma_start3A_35, %dma_start3A_36] : memref<2x4xi32, #tpu.memory_space<vmem>> -> memref<1x1xi32, #tpu.memory_space<vmem>>
    %dma_start3A_38 = tpu.memref_squeeze %dma_start3A_37 : memref<1x1xi32, #tpu.memory_space<vmem>> -> memref<1xi32, #tpu.memory_space<vmem>>
    %dma_start3A_39 = arith.constant 0 : i32
    %dma_start3A_40 = arith.constant 0 : i32
    %dma_start3A_41 = tpu.memref_slice %arg4[%dma_start3A_39, %dma_start3A_40] : memref<1024x10240xf32, #tpu.memory_space<hbm>> -> memref<1024x10240xf32, #tpu.memory_space<hbm>>
    tpu.enqueue_indirect_dma source(%dma_start3A_41 : memref<1024x10240xf32, #tpu.memory_space<hbm>>) target(%arg14 : memref<1x10240xf32, #tpu.memory_space<vmem>>) offsets(%dma_start3A_38 : memref<1xi32, #tpu.memory_space<vmem>>) semaphore(%arg19 : memref<!tpu.dma_semaphore, #tpu.memory_space<semaphore_mem>>)
    %dma_start3A_42 = arith.constant 1 : i32
    %dma_start3A_43 = arith.constant 3 : i32
    %dma_start3A_44 = tpu.memref_slice %arg8[%dma_start3A_42, %dma_start3A_43] : memref<2x4xi32, #tpu.memory_space<vmem>> -> memref<1x1xi32, #tpu.memory_space<vmem>>
    %dma_start3A_45 = tpu.memref_squeeze %dma_start3A_44 : memref<1x1xi32, #tpu.memory_space<vmem>> -> memref<1xi32, #tpu.memory_space<vmem>>
    %dma_start3A_46 = arith.constant 0 : i32
    %dma_start3A_47 = arith.constant 0 : i32
    %dma_start3A_48 = tpu.memref_slice %arg5[%dma_start3A_46, %dma_start3A_47] : memref<1024x10240xf32, #tpu.memory_space<hbm>> -> memref<1024x10240xf32, #tpu.memory_space<hbm>>
    tpu.enqueue_indirect_dma source(%dma_start3A_48 : memref<1024x10240xf32, #tpu.memory_space<hbm>>) target(%arg15 : memref<1x10240xf32, #tpu.memory_space<vmem>>) offsets(%dma_start3A_45 : memref<1xi32, #tpu.memory_space<vmem>>) semaphore(%arg19 : memref<!tpu.dma_semaphore, #tpu.memory_space<semaphore_mem>>)
    %dma_start3A_49 = arith.constant 1 : i32
    %dma_start3A_50 = arith.constant 0 : i32
    %dma_start3A_51 = tpu.memref_slice %arg8[%dma_start3A_49, %dma_start3A_50] : memref<2x4xi32, #tpu.memory_space<vmem>> -> memref<1x1xi32, #tpu.memory_space<vmem>>
    %dma_start3A_52 = tpu.memref_squeeze %dma_start3A_51 : memref<1x1xi32, #tpu.memory_space<vmem>> -> memref<1xi32, #tpu.memory_space<vmem>>
    %dma_start3A_53 = arith.constant 0 : i32
    %dma_start3A_54 = arith.constant 0 : i32
    %dma_start3A_55 = tpu.memref_slice %arg6[%dma_start3A_53, %dma_start3A_54] : memref<64x10240xf32, #tpu.memory_space<hbm>> -> memref<64x10240xf32, #tpu.memory_space<hbm>>
    tpu.enqueue_indirect_dma source(%dma_start3A_55 : memref<64x10240xf32, #tpu.memory_space<hbm>>) target(%arg16 : memref<1x10240xf32, #tpu.memory_space<vmem>>) offsets(%dma_start3A_52 : memref<1xi32, #tpu.memory_space<vmem>>) semaphore(%arg19 : memref<!tpu.dma_semaphore, #tpu.memory_space<semaphore_mem>>)
    %dma_wait3A = arith.constant 0 : i32
    %dma_wait3A_56 = arith.constant 1 : i32
    %dma_wait3A_57 = tpu.memref_slice %arg8[%dma_wait3A, %dma_wait3A_56] : memref<2x4xi32, #tpu.memory_space<vmem>> -> memref<1x1xi32, #tpu.memory_space<vmem>>
    %dma_wait3A_58 = tpu.memref_squeeze %dma_wait3A_57 : memref<1x1xi32, #tpu.memory_space<vmem>> -> memref<1xi32, #tpu.memory_space<vmem>>
    %dma_wait3A_59 = arith.constant 0 : i32
    %dma_wait3A_60 = arith.constant 0 : i32
    %dma_wait3A_61 = tpu.memref_slice %arg3[%dma_wait3A_59, %dma_wait3A_60] : memref<1024x10240xf32, #tpu.memory_space<hbm>> -> memref<1024x10240xf32, #tpu.memory_space<hbm>>
    tpu.wait_indirect_dma semaphore(%arg18 : memref<!tpu.dma_semaphore, #tpu.memory_space<semaphore_mem>>) src(%dma_wait3A_61 : memref<1024x10240xf32, #tpu.memory_space<hbm>>) dst(%arg9 : memref<1x10240xf32, #tpu.memory_space<vmem>>)
    %dma_wait3A_62 = arith.constant 0 : i32
    %dma_wait3A_63 = arith.constant 2 : i32
    %dma_wait3A_64 = tpu.memref_slice %arg8[%dma_wait3A_62, %dma_wait3A_63] : memref<2x4xi32, #tpu.memory_space<vmem>> -> memref<1x1xi32, #tpu.memory_space<vmem>>
    %dma_wait3A_65 = tpu.memref_squeeze %dma_wait3A_64 : memref<1x1xi32, #tpu.memory_space<vmem>> -> memref<1xi32, #tpu.memory_space<vmem>>
    %dma_wait3A_66 = arith.constant 0 : i32
    %dma_wait3A_67 = arith.constant 0 : i32
    %dma_wait3A_68 = tpu.memref_slice %arg4[%dma_wait3A_66, %dma_wait3A_67] : memref<1024x10240xf32, #tpu.memory_space<hbm>> -> memref<1024x10240xf32, #tpu.memory_space<hbm>>
    tpu.wait_indirect_dma semaphore(%arg18 : memref<!tpu.dma_semaphore, #tpu.memory_space<semaphore_mem>>) src(%dma_wait3A_68 : memref<1024x10240xf32, #tpu.memory_space<hbm>>) dst(%arg10 : memref<1x10240xf32, #tpu.memory_space<vmem>>)
    %dma_wait3A_69 = arith.constant 0 : i32
    %dma_wait3A_70 = arith.constant 3 : i32
    %dma_wait3A_71 = tpu.memref_slice %arg8[%dma_wait3A_69, %dma_wait3A_70] : memref<2x4xi32, #tpu.memory_space<vmem>> -> memref<1x1xi32, #tpu.memory_space<vmem>>
    %dma_wait3A_72 = tpu.memref_squeeze %dma_wait3A_71 : memref<1x1xi32, #tpu.memory_space<vmem>> -> memref<1xi32, #tpu.memory_space<vmem>>
    %dma_wait3A_73 = arith.constant 0 : i32
    %dma_wait3A_74 = arith.constant 0 : i32
    %dma_wait3A_75 = tpu.memref_slice %arg5[%dma_wait3A_73, %dma_wait3A_74] : memref<1024x10240xf32, #tpu.memory_space<hbm>> -> memref<1024x10240xf32, #tpu.memory_space<hbm>>
    tpu.wait_indirect_dma semaphore(%arg18 : memref<!tpu.dma_semaphore, #tpu.memory_space<semaphore_mem>>) src(%dma_wait3A_75 : memref<1024x10240xf32, #tpu.memory_space<hbm>>) dst(%arg11 : memref<1x10240xf32, #tpu.memory_space<vmem>>)
    %dma_wait3A_76 = arith.constant 0 : i32
    %dma_wait3A_77 = arith.constant 0 : i32
    %dma_wait3A_78 = tpu.memref_slice %arg8[%dma_wait3A_76, %dma_wait3A_77] : memref<2x4xi32, #tpu.memory_space<vmem>> -> memref<1x1xi32, #tpu.memory_space<vmem>>
    %dma_wait3A_79 = tpu.memref_squeeze %dma_wait3A_78 : memref<1x1xi32, #tpu.memory_space<vmem>> -> memref<1xi32, #tpu.memory_space<vmem>>
    %dma_wait3A_80 = arith.constant 0 : i32
    %dma_wait3A_81 = arith.constant 0 : i32
    %dma_wait3A_82 = tpu.memref_slice %arg6[%dma_wait3A_80, %dma_wait3A_81] : memref<64x10240xf32, #tpu.memory_space<hbm>> -> memref<64x10240xf32, #tpu.memory_space<hbm>>
    tpu.wait_indirect_dma semaphore(%arg18 : memref<!tpu.dma_semaphore, #tpu.memory_space<semaphore_mem>>) src(%dma_wait3A_82 : memref<64x10240xf32, #tpu.memory_space<hbm>>) dst(%arg12 : memref<1x10240xf32, #tpu.memory_space<vmem>>)
    %parallel_loop3A = arith.constant 0 : i32
    %parallel_loop3A_83 = arith.constant 640 : i32
    %parallel_loop3A_84 = arith.constant 1 : i32
    scf.for %parallel_loop3A_116 = %parallel_loop3A to %parallel_loop3A_83 step %parallel_loop3A_84  : i32 {
      %parallel_loop3A_117 = arith.constant 16 : i32
      %parallel_loop3A_118 = arith.muli %parallel_loop3A_116, %parallel_loop3A_117 : i32
      %parallel_loop3A_119 = arith.constant 0 : i32
      %parallel_loop3A_120 = arith.index_cast %parallel_loop3A_119 : i32 to index
      %parallel_loop3A_121 = arith.index_cast %parallel_loop3A_118 : i32 to index
      %parallel_loop3A_122 = tpu.vector_load %arg9[%parallel_loop3A_120, %parallel_loop3A_121] {strides = array<i32>} : memref<1x10240xf32, #tpu.memory_space<vmem>>, vector<1x16xf32>,
      %parallel_loop3A_123 = vector.shape_cast %parallel_loop3A_122 : vector<1x16xf32> to vector<16xf32>
      %parallel_loop3A_124 = arith.constant 0 : i32
      %parallel_loop3A_125 = arith.index_cast %parallel_loop3A_124 : i32 to index
      %parallel_loop3A_126 = arith.index_cast %parallel_loop3A_118 : i32 to index
      %parallel_loop3A_127 = tpu.vector_load %arg10[%parallel_loop3A_125, %parallel_loop3A_126] {strides = array<i32>} : memref<1x10240xf32, #tpu.memory_space<vmem>>, vector<1x16xf32>,
      %parallel_loop3A_128 = vector.shape_cast %parallel_loop3A_127 : vector<1x16xf32> to vector<16xf32>
      %parallel_loop3A_129 = arith.addf %parallel_loop3A_123, %parallel_loop3A_128 : vector<16xf32>
      %parallel_loop3A_130 = arith.constant 0 : i32
      %parallel_loop3A_131 = arith.index_cast %parallel_loop3A_130 : i32 to index
      %parallel_loop3A_132 = arith.index_cast %parallel_loop3A_118 : i32 to index
      %parallel_loop3A_133 = tpu.vector_load %arg11[%parallel_loop3A_131, %parallel_loop3A_132] {strides = array<i32>} : memref<1x10240xf32, #tpu.memory_space<vmem>>, vector<1x16xf32>,
      %parallel_loop3A_134 = vector.shape_cast %parallel_loop3A_133 : vector<1x16xf32> to vector<16xf32>
      %parallel_loop3A_135 = arith.addf %parallel_loop3A_129, %parallel_loop3A_134 : vector<16xf32>
      %parallel_loop3A_136 = arith.constant 0 : i32
      %parallel_loop3A_137 = arith.index_cast %parallel_loop3A_136 : i32 to index
      %parallel_loop3A_138 = arith.index_cast %parallel_loop3A_118 : i32 to index
      %parallel_loop3A_139 = tpu.vector_load %arg12[%parallel_loop3A_137, %parallel_loop3A_138] {strides = array<i32>} : memref<1x10240xf32, #tpu.memory_space<vmem>>, vector<1x16xf32>,
      %parallel_loop3A_140 = vector.shape_cast %parallel_loop3A_139 : vector<1x16xf32> to vector<16xf32>
      %parallel_loop3A_141 = arith.mulf %parallel_loop3A_135, %parallel_loop3A_140 : vector<16xf32>
      %parallel_loop3A_142 = arith.index_cast %parallel_loop3A_118 : i32 to index
      %parallel_loop3A_143 = tpu.vector_load %arg17[%parallel_loop3A_142] {strides = array<i32>} : memref<10240xf32, #tpu.memory_space<vmem>>, vector<16xf32>,
      %parallel_loop3A_144 = vector.shape_cast %parallel_loop3A_143 : vector<16xf32> to vector<16xf32>
      %parallel_loop3A_145 = vector.shape_cast %parallel_loop3A_141 : vector<16xf32> to vector<16xf32>
      tpu.vector_store %arg17[%parallel_loop3A_142], %parallel_loop3A_145 {strides = array<i32>} : memref<10240xf32, #tpu.memory_space<vmem>>, vector<16xf32>,
    } {sc.loop_unroll_factor = 4 : i64, sc.parallel_access}
    %dma_wait3A_85 = arith.constant 1 : i32
    %dma_wait3A_86 = arith.constant 1 : i32
    %dma_wait3A_87 = tpu.memref_slice %arg8[%dma_wait3A_85, %dma_wait3A_86] : memref<2x4xi32, #tpu.memory_space<vmem>> -> memref<1x1xi32, #tpu.memory_space<vmem>>
    %dma_wait3A_88 = tpu.memref_squeeze %dma_wait3A_87 : memref<1x1xi32, #tpu.memory_space<vmem>> -> memref<1xi32, #tpu.memory_space<vmem>>
    %dma_wait3A_89 = arith.constant 0 : i32
    %dma_wait3A_90 = arith.constant 0 : i32
    %dma_wait3A_91 = tpu.memref_slice %arg3[%dma_wait3A_89, %dma_wait3A_90] : memref<1024x10240xf32, #tpu.memory_space<hbm>> -> memref<1024x10240xf32, #tpu.memory_space<hbm>>
    tpu.wait_indirect_dma semaphore(%arg19 : memref<!tpu.dma_semaphore, #tpu.memory_space<semaphore_mem>>) src(%dma_wait3A_91 : memref<1024x10240xf32, #tpu.memory_space<hbm>>) dst(%arg13 : memref<1x10240xf32, #tpu.memory_space<vmem>>)
    %dma_wait3A_92 = arith.constant 1 : i32
    %dma_wait3A_93 = arith.constant 2 : i32
    %dma_wait3A_94 = tpu.memref_slice %arg8[%dma_wait3A_92, %dma_wait3A_93] : memref<2x4xi32, #tpu.memory_space<vmem>> -> memref<1x1xi32, #tpu.memory_space<vmem>>
    %dma_wait3A_95 = tpu.memref_squeeze %dma_wait3A_94 : memref<1x1xi32, #tpu.memory_space<vmem>> -> memref<1xi32, #tpu.memory_space<vmem>>
    %dma_wait3A_96 = arith.constant 0 : i32
    %dma_wait3A_97 = arith.constant 0 : i32
    %dma_wait3A_98 = tpu.memref_slice %arg4[%dma_wait3A_96, %dma_wait3A_97] : memref<1024x10240xf32, #tpu.memory_space<hbm>> -> memref<1024x10240xf32, #tpu.memory_space<hbm>>
    tpu.wait_indirect_dma semaphore(%arg19 : memref<!tpu.dma_semaphore, #tpu.memory_space<semaphore_mem>>) src(%dma_wait3A_98 : memref<1024x10240xf32, #tpu.memory_space<hbm>>) dst(%arg14 : memref<1x10240xf32, #tpu.memory_space<vmem>>)
    %dma_wait3A_99 = arith.constant 1 : i32
    %dma_wait3A_100 = arith.constant 3 : i32
    %dma_wait3A_101 = tpu.memref_slice %arg8[%dma_wait3A_99, %dma_wait3A_100] : memref<2x4xi32, #tpu.memory_space<vmem>> -> memref<1x1xi32, #tpu.memory_space<vmem>>
    %dma_wait3A_102 = tpu.memref_squeeze %dma_wait3A_101 : memref<1x1xi32, #tpu.memory_space<vmem>> -> memref<1xi32, #tpu.memory_space<vmem>>
    %dma_wait3A_103 = arith.constant 0 : i32
    %dma_wait3A_104 = arith.constant 0 : i32
    %dma_wait3A_105 = tpu.memref_slice %arg5[%dma_wait3A_103, %dma_wait3A_104] : memref<1024x10240xf32, #tpu.memory_space<hbm>> -> memref<1024x10240xf32, #tpu.memory_space<hbm>>
    tpu.wait_indirect_dma semaphore(%arg19 : memref<!tpu.dma_semaphore, #tpu.memory_space<semaphore_mem>>) src(%dma_wait3A_105 : memref<1024x10240xf32, #tpu.memory_space<hbm>>) dst(%arg15 : memref<1x10240xf32, #tpu.memory_space<vmem>>)
    %dma_wait3A_106 = arith.constant 1 : i32
    %dma_wait3A_107 = arith.constant 0 : i32
    %dma_wait3A_108 = tpu.memref_slice %arg8[%dma_wait3A_106, %dma_wait3A_107] : memref<2x4xi32, #tpu.memory_space<vmem>> -> memref<1x1xi32, #tpu.memory_space<vmem>>
    %dma_wait3A_109 = tpu.memref_squeeze %dma_wait3A_108 : memref<1x1xi32, #tpu.memory_space<vmem>> -> memref<1xi32, #tpu.memory_space<vmem>>
    %dma_wait3A_110 = arith.constant 0 : i32
    %dma_wait3A_111 = arith.constant 0 : i32
    %dma_wait3A_112 = tpu.memref_slice %arg6[%dma_wait3A_110, %dma_wait3A_111] : memref<64x10240xf32, #tpu.memory_space<hbm>> -> memref<64x10240xf32, #tpu.memory_space<hbm>>
    tpu.wait_indirect_dma semaphore(%arg19 : memref<!tpu.dma_semaphore, #tpu.memory_space<semaphore_mem>>) src(%dma_wait3A_112 : memref<64x10240xf32, #tpu.memory_space<hbm>>) dst(%arg16 : memref<1x10240xf32, #tpu.memory_space<vmem>>)
    %parallel_loop3A_113 = arith.constant 0 : i32
    %parallel_loop3A_114 = arith.constant 640 : i32
    %parallel_loop3A_115 = arith.constant 1 : i32
    scf.for %parallel_loop3A_116 = %parallel_loop3A_113 to %parallel_loop3A_114 step %parallel_loop3A_115  : i32 {
      %parallel_loop3A_117 = arith.constant 16 : i32
      %parallel_loop3A_118 = arith.muli %parallel_loop3A_116, %parallel_loop3A_117 : i32
      %parallel_loop3A_119 = arith.index_cast %parallel_loop3A_118 : i32 to index
      %parallel_loop3A_120 = tpu.vector_load %arg17[%parallel_loop3A_119] {strides = array<i32>} : memref<10240xf32, #tpu.memory_space<vmem>>, vector<16xf32>,
      %parallel_loop3A_121 = vector.shape_cast %parallel_loop3A_120 : vector<16xf32> to vector<16xf32>
      %parallel_loop3A_122 = arith.constant 0 : i32
      %parallel_loop3A_123 = arith.index_cast %parallel_loop3A_122 : i32 to index
      %parallel_loop3A_124 = arith.index_cast %parallel_loop3A_118 : i32 to index
      %parallel_loop3A_125 = tpu.vector_load %arg13[%parallel_loop3A_123, %parallel_loop3A_124] {strides = array<i32>} : memref<1x10240xf32, #tpu.memory_space<vmem>>, vector<1x16xf32>,
      %parallel_loop3A_126 = vector.shape_cast %parallel_loop3A_125 : vector<1x16xf32> to vector<16xf32>
      %parallel_loop3A_127 = arith.constant 0 : i32
      %parallel_loop3A_128 = arith.index_cast %parallel_loop3A_127 : i32 to index
      %parallel_loop3A_129 = arith.index_cast %parallel_loop3A_118 : i32 to index
      %parallel_loop3A_130 = tpu.vector_load %arg14[%parallel_loop3A_128, %parallel_loop3A_129] {strides = array<i32>} : memref<1x10240xf32, #tpu.memory_space<vmem>>, vector<1x16xf32>,
      %parallel_loop3A_131 = vector.shape_cast %parallel_loop3A_130 : vector<1x16xf32> to vector<16xf32>
      %parallel_loop3A_132 = arith.addf %parallel_loop3A_126, %parallel_loop3A_131 : vector<16xf32>
      %parallel_loop3A_133 = arith.constant 0 : i32
      %parallel_loop3A_134 = arith.index_cast %parallel_loop3A_133 : i32 to index
      %parallel_loop3A_135 = arith.index_cast %parallel_loop3A_118 : i32 to index
      %parallel_loop3A_136 = tpu.vector_load %arg15[%parallel_loop3A_134, %parallel_loop3A_135] {strides = array<i32>} : memref<1x10240xf32, #tpu.memory_space<vmem>>, vector<1x16xf32>,
      %parallel_loop3A_137 = vector.shape_cast %parallel_loop3A_136 : vector<1x16xf32> to vector<16xf32>
      %parallel_loop3A_138 = arith.addf %parallel_loop3A_132, %parallel_loop3A_137 : vector<16xf32>
      %parallel_loop3A_139 = arith.constant 0 : i32
      %parallel_loop3A_140 = arith.index_cast %parallel_loop3A_139 : i32 to index
      %parallel_loop3A_141 = arith.index_cast %parallel_loop3A_118 : i32 to index
      %parallel_loop3A_142 = tpu.vector_load %arg16[%parallel_loop3A_140, %parallel_loop3A_141] {strides = array<i32>} : memref<1x10240xf32, #tpu.memory_space<vmem>>, vector<1x16xf32>,
      %parallel_loop3A_143 = vector.shape_cast %parallel_loop3A_142 : vector<1x16xf32> to vector<16xf32>
      %parallel_loop3A_144 = arith.mulf %parallel_loop3A_138, %parallel_loop3A_143 : vector<16xf32>
      %parallel_loop3A_145 = arith.mulf %parallel_loop3A_121, %parallel_loop3A_144 : vector<16xf32>
      %parallel_loop3A_146 = arith.index_cast %parallel_loop3A_118 : i32 to index
      %parallel_loop3A_147 = tpu.vector_load %arg17[%parallel_loop3A_146] {strides = array<i32>} : memref<10240xf32, #tpu.memory_space<vmem>>, vector<16xf32>,
      %parallel_loop3A_148 = vector.shape_cast %parallel_loop3A_147 : vector<16xf32> to vector<16xf32>
      %parallel_loop3A_149 = vector.shape_cast %parallel_loop3A_145 : vector<16xf32> to vector<16xf32>
      tpu.vector_store %arg17[%parallel_loop3A_146], %parallel_loop3A_149 {strides = array<i32>} : memref<10240xf32, #tpu.memory_space<vmem>>, vector<16xf32>,
    } {sc.loop_unroll_factor = 4 : i64, sc.parallel_access}
    "tpu.region"() ({
      %run_scoped3A = tpu.sem_alloc : memref<!tpu.dma_semaphore, #tpu.memory_space<semaphore_mem>>
      %dma_start3A_116 = arith.constant 0 : i32
      %dma_start3A_117 = tpu.memref_slice %arg7[%add3A, %dma_start3A_116] : memref<32x10240xf32, #tpu.memory_space<hbm>> -> memref<1x10240xf32, #tpu.memory_space<hbm>>
      %dma_start3A_118 = tpu.memref_squeeze %dma_start3A_117 : memref<1x10240xf32, #tpu.memory_space<hbm>> -> memref<10240xf32, #tpu.memory_space<hbm>>
      %dma_start3A_119 = arith.constant 0 : i32
      %dma_start3A_120 = tpu.memref_slice %arg7[%add3A, %dma_start3A_119] : memref<32x10240xf32, #tpu.memory_space<hbm>> -> memref<1x10240xf32, #tpu.memory_space<hbm>>
      %dma_start3A_121 = tpu.memref_squeeze %dma_start3A_120 : memref<1x10240xf32, #tpu.memory_space<hbm>> -> memref<10240xf32, #tpu.memory_space<hbm>>
      tpu.enqueue_dma source(%arg17 : memref<10240xf32, #tpu.memory_space<vmem>>) target(%dma_start3A_121 : memref<10240xf32, #tpu.memory_space<hbm>>) target_semaphore(%run_scoped3A : memref<!tpu.dma_semaphore, #tpu.memory_space<semaphore_mem>>)
      %dma_wait3A_122 = arith.constant 0 : i32
      %dma_wait3A_123 = tpu.memref_slice %arg7[%add3A, %dma_wait3A_122] : memref<32x10240xf32, #tpu.memory_space<hbm>> -> memref<1x10240xf32, #tpu.memory_space<hbm>>
      %dma_wait3A_124 = tpu.memref_squeeze %dma_wait3A_123 : memref<1x10240xf32, #tpu.memory_space<hbm>> -> memref<10240xf32, #tpu.memory_space<hbm>>
      %dma_wait3A_125 = arith.constant 0 : i32
      %dma_wait3A_126 = tpu.memref_slice %arg7[%add3A, %dma_wait3A_125] : memref<32x10240xf32, #tpu.memory_space<hbm>> -> memref<1x10240xf32, #tpu.memory_space<hbm>>
      %dma_wait3A_127 = tpu.memref_squeeze %dma_wait3A_126 : memref<1x10240xf32, #tpu.memory_space<hbm>> -> memref<10240xf32, #tpu.memory_space<hbm>>
      tpu.wait_dma2 semaphore(%run_scoped3A : memref<!tpu.dma_semaphore, #tpu.memory_space<semaphore_mem>>) src(%arg17 : memref<10240xf32, #tpu.memory_space<vmem>>) dst(%dma_wait3A_127 : memref<10240xf32, #tpu.memory_space<hbm>>)
      tpu.yield
    }) : () -> ()
    return
  }
}

module attributes {stable_mosaic.version = 14 : i64} {
  func.func @_fb_body(%arg0: memref<6xf32, #tpu.memory_space<vmem>>, %arg1: memref<6x10240xf32, #tpu.memory_space<vmem>>, %arg2: memref<10240xf32, #tpu.memory_space<vmem>>, %arg3: memref<10240xf32, #tpu.memory_space<vmem>>) attributes {dimension_semantics = [], scalar_prefetch = 0 : i64, scratch_operands = 0 : i64, tpu.core_type = #tpu.core_type<tc>} {
    %get3A = arith.constant 0 : index
    %get3A_0 = vector.load %arg0[%get3A] : memref<6xf32, #tpu.memory_space<vmem>>, vector<6xf32>
    %get3A_1 = arith.constant 0 : index
    %get3A_2 = arith.constant 0 : index
    %get3A_3 = vector.load %arg1[%get3A_1, %get3A_2] : memref<6x10240xf32, #tpu.memory_space<vmem>>, vector<6x10240xf32>
    %dot_general3A = arith.constant dense<0.000000e+00> : vector<10240xf32>
    %dot_general3A_4 = tpu.matmul %get3A_0, %get3A_3, %dot_general3A {dimension_numbers = #tpu.dot_dimension_numbers<[0], [0], [], [1], [1, 1], [], []>, transpose_lhs_hint = false} : vector<6xf32>, vector<6x10240xf32>, vector<10240xf32> -> vector<10240xf32>
    %get3A_5 = arith.constant 0 : index
    %get3A_6 = vector.load %arg2[%get3A_5] : memref<10240xf32, #tpu.memory_space<vmem>>, vector<10240xf32>
    %add3A = arith.addf %dot_general3A_4, %get3A_6 : vector<10240xf32>
    %cos3A = math.cos %add3A : vector<10240xf32>
    %sin3A = math.sin %dot_general3A_4 : vector<10240xf32>
    %mul3A = arith.mulf %cos3A, %sin3A : vector<10240xf32>
    %swap3A = arith.constant 0 : index
    %swap3A_7 = vector.load %arg3[%swap3A] : memref<10240xf32, #tpu.memory_space<vmem>>, vector<10240xf32>
    tpu.vector_store %arg3[%swap3A], %mul3A {strides = array<i32>} : memref<10240xf32, #tpu.memory_space<vmem>>, vector<10240xf32>,
    return
  }
}

module attributes {stable_mosaic.version = 14 : i64} {
  func.func @_comb_body(%arg0: memref<32x10240xf32, #tpu.memory_space<vmem>>, %arg1: memref<10240xf32, #tpu.memory_space<vmem>>, %arg2: memref<10240xf32, #tpu.memory_space<vmem>>) attributes {dimension_semantics = [], scalar_prefetch = 0 : i64, scratch_operands = 0 : i64, tpu.core_type = #tpu.core_type<tc>} {
    %get3A = arith.constant 0 : index
    %get3A_0 = arith.constant 0 : index
    %get3A_1 = vector.load %arg0[%get3A, %get3A_0] : memref<32x10240xf32, #tpu.memory_space<vmem>>, vector<1x10240xf32>
    %get3A_2 = vector.shape_cast %get3A_1 : vector<1x10240xf32> to vector<10240xf32>
    %get3A_3 = arith.constant 1 : index
    %get3A_4 = arith.constant 0 : index
    %get3A_5 = vector.load %arg0[%get3A_3, %get3A_4] : memref<32x10240xf32, #tpu.memory_space<vmem>>, vector<1x10240xf32>
    %get3A_6 = vector.shape_cast %get3A_5 : vector<1x10240xf32> to vector<10240xf32>
    %mul3A = arith.mulf %get3A_2, %get3A_6 : vector<10240xf32>
    %get3A_7 = arith.constant 2 : index
    %get3A_8 = arith.constant 0 : index
    %get3A_9 = vector.load %arg0[%get3A_7, %get3A_8] : memref<32x10240xf32, #tpu.memory_space<vmem>>, vector<1x10240xf32>
    %get3A_10 = vector.shape_cast %get3A_9 : vector<1x10240xf32> to vector<10240xf32>
    %mul3A_11 = arith.mulf %mul3A, %get3A_10 : vector<10240xf32>
    %get3A_12 = arith.constant 3 : index
    %get3A_13 = arith.constant 0 : index
    %get3A_14 = vector.load %arg0[%get3A_12, %get3A_13] : memref<32x10240xf32, #tpu.memory_space<vmem>>, vector<1x10240xf32>
    %get3A_15 = vector.shape_cast %get3A_14 : vector<1x10240xf32> to vector<10240xf32>
    %mul3A_16 = arith.mulf %mul3A_11, %get3A_15 : vector<10240xf32>
    %get3A_17 = arith.constant 4 : index
    %get3A_18 = arith.constant 0 : index
    %get3A_19 = vector.load %arg0[%get3A_17, %get3A_18] : memref<32x10240xf32, #tpu.memory_space<vmem>>, vector<1x10240xf32>
    %get3A_20 = vector.shape_cast %get3A_19 : vector<1x10240xf32> to vector<10240xf32>
    %mul3A_21 = arith.mulf %mul3A_16, %get3A_20 : vector<10240xf32>
    %get3A_22 = arith.constant 5 : index
    %get3A_23 = arith.constant 0 : index
    %get3A_24 = vector.load %arg0[%get3A_22, %get3A_23] : memref<32x10240xf32, #tpu.memory_space<vmem>>, vector<1x10240xf32>
    %get3A_25 = vector.shape_cast %get3A_24 : vector<1x10240xf32> to vector<10240xf32>
    %mul3A_26 = arith.mulf %mul3A_21, %get3A_25 : vector<10240xf32>
    %get3A_27 = arith.constant 6 : index
    %get3A_28 = arith.constant 0 : index
    %get3A_29 = vector.load %arg0[%get3A_27, %get3A_28] : memref<32x10240xf32, #tpu.memory_space<vmem>>, vector<1x10240xf32>
    %get3A_30 = vector.shape_cast %get3A_29 : vector<1x10240xf32> to vector<10240xf32>
    %mul3A_31 = arith.mulf %mul3A_26, %get3A_30 : vector<10240xf32>
    %get3A_32 = arith.constant 7 : index
    %get3A_33 = arith.constant 0 : index
    %get3A_34 = vector.load %arg0[%get3A_32, %get3A_33] : memref<32x10240xf32, #tpu.memory_space<vmem>>, vector<1x10240xf32>
    %get3A_35 = vector.shape_cast %get3A_34 : vector<1x10240xf32> to vector<10240xf32>
    %mul3A_36 = arith.mulf %mul3A_31, %get3A_35 : vector<10240xf32>
    %get3A_37 = arith.constant 8 : index
    %get3A_38 = arith.constant 0 : index
    %get3A_39 = vector.load %arg0[%get3A_37, %get3A_38] : memref<32x10240xf32, #tpu.memory_space<vmem>>, vector<1x10240xf32>
    %get3A_40 = vector.shape_cast %get3A_39 : vector<1x10240xf32> to vector<10240xf32>
    %mul3A_41 = arith.mulf %mul3A_36, %get3A_40 : vector<10240xf32>
    %get3A_42 = arith.constant 9 : index
    %get3A_43 = arith.constant 0 : index
    %get3A_44 = vector.load %arg0[%get3A_42, %get3A_43] : memref<32x10240xf32, #tpu.memory_space<vmem>>, vector<1x10240xf32>
    %get3A_45 = vector.shape_cast %get3A_44 : vector<1x10240xf32> to vector<10240xf32>
    %mul3A_46 = arith.mulf %mul3A_41, %get3A_45 : vector<10240xf32>
    %get3A_47 = arith.constant 10 : index
    %get3A_48 = arith.constant 0 : index
    %get3A_49 = vector.load %arg0[%get3A_47, %get3A_48] : memref<32x10240xf32, #tpu.memory_space<vmem>>, vector<1x10240xf32>
    %get3A_50 = vector.shape_cast %get3A_49 : vector<1x10240xf32> to vector<10240xf32>
    %mul3A_51 = arith.mulf %mul3A_46, %get3A_50 : vector<10240xf32>
    %get3A_52 = arith.constant 11 : index
    %get3A_53 = arith.constant 0 : index
    %get3A_54 = vector.load %arg0[%get3A_52, %get3A_53] : memref<32x10240xf32, #tpu.memory_space<vmem>>, vector<1x10240xf32>
    %get3A_55 = vector.shape_cast %get3A_54 : vector<1x10240xf32> to vector<10240xf32>
    %mul3A_56 = arith.mulf %mul3A_51, %get3A_55 : vector<10240xf32>
    %get3A_57 = arith.constant 12 : index
    %get3A_58 = arith.constant 0 : index
    %get3A_59 = vector.load %arg0[%get3A_57, %get3A_58] : memref<32x10240xf32, #tpu.memory_space<vmem>>, vector<1x10240xf32>
    %get3A_60 = vector.shape_cast %get3A_59 : vector<1x10240xf32> to vector<10240xf32>
    %mul3A_61 = arith.mulf %mul3A_56, %get3A_60 : vector<10240xf32>
    %get3A_62 = arith.constant 13 : index
    %get3A_63 = arith.constant 0 : index
    %get3A_64 = vector.load %arg0[%get3A_62, %get3A_63] : memref<32x10240xf32, #tpu.memory_space<vmem>>, vector<1x10240xf32>
    %get3A_65 = vector.shape_cast %get3A_64 : vector<1x10240xf32> to vector<10240xf32>
    %mul3A_66 = arith.mulf %mul3A_61, %get3A_65 : vector<10240xf32>
    %get3A_67 = arith.constant 14 : index
    %get3A_68 = arith.constant 0 : index
    %get3A_69 = vector.load %arg0[%get3A_67, %get3A_68] : memref<32x10240xf32, #tpu.memory_space<vmem>>, vector<1x10240xf32>
    %get3A_70 = vector.shape_cast %get3A_69 : vector<1x10240xf32> to vector<10240xf32>
    %mul3A_71 = arith.mulf %mul3A_66, %get3A_70 : vector<10240xf32>
    %get3A_72 = arith.constant 15 : index
    %get3A_73 = arith.constant 0 : index
    %get3A_74 = vector.load %arg0[%get3A_72, %get3A_73] : memref<32x10240xf32, #tpu.memory_space<vmem>>, vector<1x10240xf32>
    %get3A_75 = vector.shape_cast %get3A_74 : vector<1x10240xf32> to vector<10240xf32>
    %mul3A_76 = arith.mulf %mul3A_71, %get3A_75 : vector<10240xf32>
    %get3A_77 = arith.constant 16 : index
    %get3A_78 = arith.constant 0 : index
    %get3A_79 = vector.load %arg0[%get3A_77, %get3A_78] : memref<32x10240xf32, #tpu.memory_space<vmem>>, vector<1x10240xf32>
    %get3A_80 = vector.shape_cast %get3A_79 : vector<1x10240xf32> to vector<10240xf32>
    %mul3A_81 = arith.mulf %mul3A_76, %get3A_80 : vector<10240xf32>
    %get3A_82 = arith.constant 17 : index
    %get3A_83 = arith.constant 0 : index
    %get3A_84 = vector.load %arg0[%get3A_82, %get3A_83] : memref<32x10240xf32, #tpu.memory_space<vmem>>, vector<1x10240xf32>
    %get3A_85 = vector.shape_cast %get3A_84 : vector<1x10240xf32> to vector<10240xf32>
    %mul3A_86 = arith.mulf %mul3A_81, %get3A_85 : vector<10240xf32>
    %get3A_87 = arith.constant 18 : index
    %get3A_88 = arith.constant 0 : index
    %get3A_89 = vector.load %arg0[%get3A_87, %get3A_88] : memref<32x10240xf32, #tpu.memory_space<vmem>>, vector<1x10240xf32>
    %get3A_90 = vector.shape_cast %get3A_89 : vector<1x10240xf32> to vector<10240xf32>
    %mul3A_91 = arith.mulf %mul3A_86, %get3A_90 : vector<10240xf32>
    %get3A_92 = arith.constant 19 : index
    %get3A_93 = arith.constant 0 : index
    %get3A_94 = vector.load %arg0[%get3A_92, %get3A_93] : memref<32x10240xf32, #tpu.memory_space<vmem>>, vector<1x10240xf32>
    %get3A_95 = vector.shape_cast %get3A_94 : vector<1x10240xf32> to vector<10240xf32>
    %mul3A_96 = arith.mulf %mul3A_91, %get3A_95 : vector<10240xf32>
    %get3A_97 = arith.constant 20 : index
    %get3A_98 = arith.constant 0 : index
    %get3A_99 = vector.load %arg0[%get3A_97, %get3A_98] : memref<32x10240xf32, #tpu.memory_space<vmem>>, vector<1x10240xf32>
    %get3A_100 = vector.shape_cast %get3A_99 : vector<1x10240xf32> to vector<10240xf32>
    %mul3A_101 = arith.mulf %mul3A_96, %get3A_100 : vector<10240xf32>
    %get3A_102 = arith.constant 21 : index
    %get3A_103 = arith.constant 0 : index
    %get3A_104 = vector.load %arg0[%get3A_102, %get3A_103] : memref<32x10240xf32, #tpu.memory_space<vmem>>, vector<1x10240xf32>
    %get3A_105 = vector.shape_cast %get3A_104 : vector<1x10240xf32> to vector<10240xf32>
    %mul3A_106 = arith.mulf %mul3A_101, %get3A_105 : vector<10240xf32>
    %get3A_107 = arith.constant 22 : index
    %get3A_108 = arith.constant 0 : index
    %get3A_109 = vector.load %arg0[%get3A_107, %get3A_108] : memref<32x10240xf32, #tpu.memory_space<vmem>>, vector<1x10240xf32>
    %get3A_110 = vector.shape_cast %get3A_109 : vector<1x10240xf32> to vector<10240xf32>
    %mul3A_111 = arith.mulf %mul3A_106, %get3A_110 : vector<10240xf32>
    %get3A_112 = arith.constant 23 : index
    %get3A_113 = arith.constant 0 : index
    %get3A_114 = vector.load %arg0[%get3A_112, %get3A_113] : memref<32x10240xf32, #tpu.memory_space<vmem>>, vector<1x10240xf32>
    %get3A_115 = vector.shape_cast %get3A_114 : vector<1x10240xf32> to vector<10240xf32>
    %mul3A_116 = arith.mulf %mul3A_111, %get3A_115 : vector<10240xf32>
    %get3A_117 = arith.constant 24 : index
    %get3A_118 = arith.constant 0 : index
    %get3A_119 = vector.load %arg0[%get3A_117, %get3A_118] : memref<32x10240xf32, #tpu.memory_space<vmem>>, vector<1x10240xf32>
    %get3A_120 = vector.shape_cast %get3A_119 : vector<1x10240xf32> to vector<10240xf32>
    %mul3A_121 = arith.mulf %mul3A_116, %get3A_120 : vector<10240xf32>
    %get3A_122 = arith.constant 25 : index
    %get3A_123 = arith.constant 0 : index
    %get3A_124 = vector.load %arg0[%get3A_122, %get3A_123] : memref<32x10240xf32, #tpu.memory_space<vmem>>, vector<1x10240xf32>
    %get3A_125 = vector.shape_cast %get3A_124 : vector<1x10240xf32> to vector<10240xf32>
    %mul3A_126 = arith.mulf %mul3A_121, %get3A_125 : vector<10240xf32>
    %get3A_127 = arith.constant 26 : index
    %get3A_128 = arith.constant 0 : index
    %get3A_129 = vector.load %arg0[%get3A_127, %get3A_128] : memref<32x10240xf32, #tpu.memory_space<vmem>>, vector<1x10240xf32>
    %get3A_130 = vector.shape_cast %get3A_129 : vector<1x10240xf32> to vector<10240xf32>
    %mul3A_131 = arith.mulf %mul3A_126, %get3A_130 : vector<10240xf32>
    %get3A_132 = arith.constant 27 : index
    %get3A_133 = arith.constant 0 : index
    %get3A_134 = vector.load %arg0[%get3A_132, %get3A_133] : memref<32x10240xf32, #tpu.memory_space<vmem>>, vector<1x10240xf32>
    %get3A_135 = vector.shape_cast %get3A_134 : vector<1x10240xf32> to vector<10240xf32>
    %mul3A_136 = arith.mulf %mul3A_131, %get3A_135 : vector<10240xf32>
    %get3A_137 = arith.constant 28 : index
    %get3A_138 = arith.constant 0 : index
    %get3A_139 = vector.load %arg0[%get3A_137, %get3A_138] : memref<32x10240xf32, #tpu.memory_space<vmem>>, vector<1x10240xf32>
    %get3A_140 = vector.shape_cast %get3A_139 : vector<1x10240xf32> to vector<10240xf32>
    %mul3A_141 = arith.mulf %mul3A_136, %get3A_140 : vector<10240xf32>
    %get3A_142 = arith.constant 29 : index
    %get3A_143 = arith.constant 0 : index
    %get3A_144 = vector.load %arg0[%get3A_142, %get3A_143] : memref<32x10240xf32, #tpu.memory_space<vmem>>, vector<1x10240xf32>
    %get3A_145 = vector.shape_cast %get3A_144 : vector<1x10240xf32> to vector<10240xf32>
    %mul3A_146 = arith.mulf %mul3A_141, %get3A_145 : vector<10240xf32>
    %get3A_147 = arith.constant 30 : index
    %get3A_148 = arith.constant 0 : index
    %get3A_149 = vector.load %arg0[%get3A_147, %get3A_148] : memref<32x10240xf32, #tpu.memory_space<vmem>>, vector<1x10240xf32>
    %get3A_150 = vector.shape_cast %get3A_149 : vector<1x10240xf32> to vector<10240xf32>
    %mul3A_151 = arith.mulf %mul3A_146, %get3A_150 : vector<10240xf32>
    %get3A_152 = arith.constant 31 : index
    %get3A_153 = arith.constant 0 : index
    %get3A_154 = vector.load %arg0[%get3A_152, %get3A_153] : memref<32x10240xf32, #tpu.memory_space<vmem>>, vector<1x10240xf32>
    %get3A_155 = vector.shape_cast %get3A_154 : vector<1x10240xf32> to vector<10240xf32>
    %mul3A_156 = arith.mulf %mul3A_151, %get3A_155 : vector<10240xf32>
    %get3A_157 = arith.constant 0 : index
    %get3A_158 = vector.load %arg1[%get3A_157] : memref<10240xf32, #tpu.memory_space<vmem>>, vector<10240xf32>
    %mul3A_159 = arith.mulf %mul3A_156, %get3A_158 : vector<10240xf32>
    %gt3A = arith.constant 0.000000e+00 : f32
    %gt3A_160 = vector.broadcast %gt3A : f32 to vector<10240xf32>
    %gt3A_161 = arith.cmpf ogt, %mul3A_159, %gt3A_160 : vector<10240xf32>
    %jit3A = arith.constant 1.000000e+00 : f32
    %jit3A_162 = arith.constant -1.000000e+00 : f32
    %broadcast_in_dim3A = vector.broadcast %jit3A : f32 to vector<10240xf32>
    %broadcast_in_dim3A_163 = vector.broadcast %jit3A_162 : f32 to vector<10240xf32>
    %select_n3A = arith.select %gt3A_161, %broadcast_in_dim3A, %broadcast_in_dim3A_163 : vector<10240xi1>, vector<10240xf32>
    %swap3A = arith.constant 0 : index
    %swap3A_164 = vector.load %arg2[%swap3A] : memref<10240xf32, #tpu.memory_space<vmem>>, vector<10240xf32>
    tpu.vector_store %arg2[%swap3A], %select_n3A {strides = array<i32>} : memref<10240xf32, #tpu.memory_space<vmem>>, vector<10240xf32>,
    return
  }
}

</mosaic_0001>

<sc_bundles>
// kernel: kernel.5.cloned.1.call-start
scs
__scs_entry_jumppad:
0x0: {  	(pc) =	sbr.rel $0x88, $3  }
0x1: {  	(tag) =	ssettag $0x0;
	lr =	simm.s32 $0x1  }
0x2: {  	[smem:$0x3F99] =	sst lr;
	_ =	strace $0xD0000000  }
0x3: {  	_ = 	snop  }
0x4: {  	_ = 	snop  }
0x5: {  	_ = 	snop  }
0x6: {  	_ = 	snop  }
0x7: {  	_ = 	snop  }
__scs_overlays_trampoline_lowered:
0x8: {  	[smem:$0x3FA8] =	sst s0  }
0x9: {  	[smem:$0x3FA9] =	sst s1  }
0xa: {  	[smem:$0x3FAA] =	sst s2  }
0xb: {  	[smem:$0x3FAB] =	sst s3  }
0xc: {  	[smem:$0x3FAC] =	sst s4  }
0xd: {  	[smem:$0x3FAD] =	sst s5  }
0xe: {  	[smem:$0x3FAE] =	sst s6  }
0xf: {  	[smem:$0x3FAF] =	sst s7  }
0x10: {  	[smem:$0x3FB0] =	sst s8  }
0x11: {  	[smem:$0x3FB1] =	sst s9;
	s0 =	simm.s32 @!p0 $0x0  }
0x12: {  	s1 =	sld [smem:$0x3F97];
	s0 =	simm.s32 @p0 $0x1  }
0x13: {  	[smem:$0x3FB2] =	sst s0;
	s0 =	simm.s32 @!p1 $0x0  }
0x14: {  	s2 =	sld [smem:$0x3F96];
	s0 =	simm.s32 @p1 $0x1  }
0x15: {  	[smem:$0x3FB3] =	sst s0;
	s0 =	simm.s32 @!p2 $0x0  }
0x16: {  	s3 =	sld [smem:$0x3FDB];
	s0 =	simm.s32 @p2 $0x1  }
0x17: {  	s4 =	simm.s32 $0x1BF5;
	[smem:$0x3FB5] =	sst s0  }
0x18: {  	s0 =	sld [smem:$0x3F98];
	_ =	swait.ge [sflag:s4], $0x0  }
0x19: {  	s7 =	sld [smem:$0x3F99]  }
0x1a: {  	s8 =	sadd.s32 $0xFFFFE003, lr  }
0x1b: {  	s9 =	sadd.s32 $0xFFFFFEF7, lr;
	s5 =	simm.s32 $0xFFFFFFFF;
	p2 =	slt.u32 s8, $0xFFFFF086  }
0x1c: {  	p1 =	slt.u32 s9, $0xF7A;
	s5 =	simm.s32 @!p2 $0x0  }
0x1d: {  	s5 =	simm.s32 @p1 $0x1;
	p0 =	seq.s32 s7, s2  }
0x1e: {  	s7 =	smul.u32 @!p0 $0xF7A, s2;
	p2 =	seq.s32 @!p0 s5, $0x0  }
0x1f: {  	s9 =	smul.u32 $0xF7A, s1;
	s8 =	simm.s32 @!p0 $0x1BF5;
	p2 =	por !p2, p0  }
0x20: {  	[sflag:s8] =	ssyncset.s32 @!p0 $0xFFFFF086;
	s6 =	sadd.s32 @!p0 s3, s7;
	s7 =	simm.s32 @!p0 $0x108  }
0x21: {  	s3 =	sadd.s32 s3, s9;
	s6 =	sadd.s32 @!p0 $0x88, s6;
	s7 =	simm.s32 @p2 $0x1082  }
0x22: {  	[simem:s7], [sflag:s8] =	dma.local @!p0 [hbm:s6], $0xF7A  }
0x23: {  	s9 =	sor.u32 $0xD0000000, s2;
	s6 =	simm.s32 $0x108;
	_ =	swait.ge @!p0 [sflag:s8], $0x0  }
0x24: {  	s3 =	sadd.s32 $0x88, s3;
	s6 =	simm.s32 @!p1 $0x1082;
	[sflag:s4] =	ssyncset.s32 $0xFFFFF086  }
0x25: {  	[simem:s6], [sflag:s4] =	dma.local [hbm:s3], $0xF7A  }
0x26: {  	[smem:$0x3F99] =	sst s1;
	(tag) =	ssettag s2;
	_ =	strace s9  }
0x27: {  	s1 =	sld [smem:$0x3FA9]  }
0x28: {  	s2 =	sld [smem:$0x3FAA]  }
0x29: {  	s4 =	sld [smem:$0x3FAC]  }
0x2a: {  	p0 =	seq.s32 s5, $0x0;
	s5 =	sld [smem:$0x3FAD]  }
0x2b: {  	s6 =	sld [smem:$0x3FAE]  }
0x2c: {  	s7 =	sld [smem:$0x3FAF]  }
0x2d: {  	s3 =	simm.s32 $0x108;
	s8 =	sld [smem:$0x3FB0]  }
0x2e: {  	s3 =	simm.s32 @!p0 $0x1082;
	s9 =	sld [smem:$0x3FB1]  }
0x2f: {  	lr =	sadd.s32 s0, s3;
	s0 =	sld [smem:$0x3FA8]  }
0x30: {  	s3 =	sld [smem:$0x3FAB]  }
0x31: {  	[smem:$0x3FB4] =	sst s10  }
0x32: {  	s10 =	sld [smem:$0x3FB2];
	_ =	sdelay $0x3  }
0x33: {  	p0 =	seq.s32 s10, $0x1;
	s10 =	sld [smem:$0x3FB4];
	_ =	sdelay $0x3  }
0x34: {  	[smem:$0x3FB4] =	sst s10  }
0x35: {  	s10 =	sld [smem:$0x3FB3];
	_ =	sdelay $0x3  }
0x36: {  	p1 =	seq.s32 s10, $0x1;
	s10 =	sld [smem:$0x3FB4];
	_ =	sdelay $0x3  }
0x37: {  	[smem:$0x3FB4] =	sst s10  }
0x38: {  	s10 =	sld [smem:$0x3FB5]  }
0x39: {  	_ = 	snop;
	(pc) =	sbr.ind lr, $3  }
0x3a: {  	_ = 	snop  }
0x3b: {  	_ = 	snop  }
0x3c: {  	p2 =	seq.s32 s10, $0x1;
	s10 =	sld [smem:$0x3FB4]  }
0x3d: {  	_ =	shalt  }
0x3e: {  	_ =	shalt  }
0x3f: {  	_ =	shalt  }
0x40: {  	_ =	shalt  }
0x41: {  	_ =	shalt  }
0x42: {  	_ =	shalt  }
0x43: {  	_ =	shalt  }
0x44: {  	_ =	shalt  }
0x45: {  	_ =	shalt  }
0x46: {  	_ =	shalt  }
0x47: {  	_ =	shalt  }
0x48: {  	_ =	shalt  }
0x49: {  	_ =	shalt  }
0x4a: {  	_ =	shalt  }
0x4b: {  	_ =	shalt  }
0x4c: {  	_ =	shalt  }
0x4d: {  	_ =	shalt  }
0x4e: {  	_ =	shalt  }
0x4f: {  	_ =	shalt  }
0x50: {  	_ =	shalt  }
0x51: {  	_ =	shalt  }
0x52: {  	_ =	shalt  }
0x53: {  	_ =	shalt  }
0x54: {  	_ =	shalt  }
0x55: {  	_ =	shalt  }
0x56: {  	_ =	shalt  }
0x57: {  	_ =	shalt  }
0x58: {  	_ =	shalt  }
0x59: {  	_ =	shalt  }
0x5a: {  	_ =	shalt  }
0x5b: {  	_ =	shalt  }
0x5c: {  	_ =	shalt  }
0x5d: {  	_ =	shalt  }
0x5e: {  	_ =	shalt  }
0x5f: {  	_ =	shalt  }
0x60: {  	_ =	shalt  }
0x61: {  	_ =	shalt  }
0x62: {  	_ =	shalt  }
0x63: {  	_ =	shalt  }
0x64: {  	_ =	shalt  }
0x65: {  	_ =	shalt  }
0x66: {  	_ =	shalt  }
0x67: {  	_ =	shalt  }
0x68: {  	_ =	shalt  }
0x69: {  	_ =	shalt  }
0x6a: {  	_ =	shalt  }
0x6b: {  	_ =	shalt  }
0x6c: {  	_ =	shalt  }
0x6d: {  	_ =	shalt  }
0x6e: {  	_ =	shalt  }
0x6f: {  	_ =	shalt  }
0x70: {  	_ =	shalt  }
0x71: {  	_ =	shalt  }
0x72: {  	_ =	shalt  }
0x73: {  	_ =	shalt  }
0x74: {  	_ =	shalt  }
0x75: {  	_ =	shalt  }
0x76: {  	_ =	shalt  }
0x77: {  	_ =	shalt  }
0x78: {  	_ =	shalt  }
0x79: {  	_ =	shalt  }
0x7a: {  	_ =	shalt  }
0x7b: {  	_ =	shalt  }
0x7c: {  	_ =	shalt  }
0x7d: {  	_ =	shalt  }
0x7e: {  	_ =	shalt  }
0x7f: {  	_ =	shalt  }
0x80: {  	_ =	shalt  }
0x81: {  	_ =	shalt  }
0x82: {  	_ =	shalt  }
0x83: {  	_ =	shalt  }
0x84: {  	_ =	shalt  }
0x85: {  	_ =	shalt  }
0x86: {  	_ =	shalt  }
0x87: {  	_ =	shalt  }
.Lfunc_end0:
.L_simem_size_0:
called_computation_lowered:
.L_overlay_start_0:
0x88: {  	s2 =	sld [smem:$0x3FD9]  }
0x89: {  	s3 =	sld [smem:$0x3FFE];
	_ =	sdelay $0x1  }
0x8a: {  	s1 =	srdreg.scid  }
0x8b: {  	s0 =	sand.u32 $0x1, s1  }
0x8c: {  	s17 =	sshll.u32 s0, $0xA;
	s2 =	sadd.s32 s3, s2  }
0x8d: {  	s2 =	sadd.s32 s2, s17  }
0x8e: {  	[smem:$0x3FC0] =	sst s2  }
0x8f: {  	_ = 	snop  }
0x90: {  	s2 =	sld [smem:$0x3FC7]  }
0x91: {  	s18 =	sld [smem:$0x3FC6]  }
0x92: {  	s4 =	sld [smem:$0x3FC5]  }
0x93: {  	s5 =	sld [smem:$0x3FC4]  }
0x94: {  	s6 =	sld [smem:$0x3FD0];
	(tm) =	ssettm $0x1  }
0x95: {  	s7 =	sld [smem:$0x3FFB];
	_ =	sdelay $0x3  }
0x96: {  	_ =	strace s7  }
0x97: {  	s7 =	sld [smem:$0x3FFC];
	_ =	sdelay $0x3  }
0x98: {  	_ =	strace s7  }
0x99: {  	s7 =	sld [smem:$0x3FFD];
	_ =	sdelay $0x3  }
0x9a: {  	_ =	strace s7  }
0x9b: {  	_ =	strace $0x8FFFFFFF  }
0x9c: {  	s19 =	sld [smem:$0x3FDB];
	_ =	sdelay $0x1  }
0x9d: {  	s8 =	simm.s32 $_scs_section_size  }
0x9e: {  	s9 =	simm.s32 $_size__tile_overlayer_lowered;
	s10 =	simm.s32 $_tile_overlayer_lowered  }
0x9f: {  	s22 =	simm.s32 $0x1BFF;
	s21 =	sshll.u32 s10, $0x1;
	s7 =	sadd.s32 s8, s19  }
0xa0: {  	s11 =	simm.s32 $0x0;
	s20 =	sshll.u32 s9, $0x1;
	s9 =	sadd.s32 s21, s7  }
0xa1: {  	[timem:s11], [sflag:s22] =	dma.local [hbm:s9], s20  }
0xa2: {  	_ =	swait.ge [sflag:s22], s20  }
0xa3: {  	s8 =	ssub.s32 $0x0, s20;
	[sflag:s22] =	ssyncset.done $0x0  }
0xa4: {  	[sflag:s22] =	ssyncadd.s32 s8;
	_ =	sdelay $0x1  }
0xa5: {  	s23 =	simm.s32 $0x1B8B  }
0xa6: {  	_ =	swait.ge [sflag:s23], $0x1  }
0xa7: {  	[sflag:s23] =	ssyncset.done $0x0  }
0xa8: {  	s25 =	simm.s32 $0x1B8E;
	s24 =	sld [smem:$0x3FFE];
	[sflag:s23] =	ssyncadd.s32 $0xFFFFFFFF  }
0xa9: {  	s26 =	simm.s32 $execute0_lowered;
	[smem:$0x3FD2] =	sst s25  }
0xaa: {  	s9 =	sshll.u32 s26, $0x1;
	_ =	strace $0x80000046;
	[dreg:$0x1] =	wrdreg $0xFFFFFFFF  }
0xab: {  	s28 =	simm.s32 $_size_execute0_lowered;
	s7 =	sadd.s32 s7, s9;
	[dreg:$0x0] =	wrdreg $0x0  }
0xac: {  	s9 =	sshll.u32 s28, $0x1;
	[dreg:$0x2] =	wrdreg s7  }
0xad: {  	[dreg:$0x3] =	wrdreg s9  }
0xae: {  	[dreg:$0x4] =	wrdreg $0xC0  }
0xaf: {  	_ =	task [dreg:s11], $0x5FFFF  }
0xb0: {  	[dreg:$0x1] =	wrdreg $0xFFFFFFFF  }
0xb1: {  	[dreg:$0x0] =	wrdreg $0x60  }
0xb2: {  	[dreg:$0x2] =	wrdreg s6  }
0xb3: {  	[dreg:$0x3] =	wrdreg s2  }
0xb4: {  	[dreg:$0x4] =	wrdreg s18  }
0xb5: {  	[dreg:$0x5] =	wrdreg s4  }
0xb6: {  	[dreg:$0x6] =	wrdreg s5  }
0xb7: {  	[dreg:$0x7] =	wrdreg s24  }
0xb8: {  	[dreg:$0x8] =	wrdreg $0x9  }
0xb9: {  	_ =	task.clear_ibuf [dreg:s11], $0x9FFFF;
	_ =	strace $0x90000046  }
0xba: {  	s29 =	simm.s32 $0x9;
	_ =	strace $0x80000048  }
0xbb: {  	_ =	swait.ge [sflag:s29], $0x1  }
0xbc: {  	[sflag:s29] =	ssyncadd.s32 $0xFFFFFFFF  }
0xbd: {  	_ =	strace $0x90000048  }
0xbe: {  	_ =	sfence  }
0xbf: {  	s30 =	sld [smem:$0x0];
	_ =	sdelay $0x2  }
0xc0: {  	s31 =	sshll.u32 s1, $0xD;
	s1 =	sshrl.u32 s1, $0x2  }
0xc1: {  	s3 =	sand.u32 $0x4000, s31;
	s1 =	sadd.s32 s1, s30  }
0xc2: {  	s0 =	sor.u32 s3, s0;
	s1 =	sshll.u32 s1, $0x11  }
0xc3: {  	s0 =	sor.u32 s1, s0  }
0xc4: {  	s0 =	sadd.s32 $0x8F2B, s0  }
0xc5: {  	[sflag:s0] =	ssyncadd.remote.s32 $0x1  }
0xc6: {  	_ =	sfence.sel $0xFFFF  }
0xc7: {  	[dreg:$0x0] =	wrdreg $0xFFFFFFFF;
	(pc) =	sbr.abs _section_cstart, $3  }
0xc8: {  	[dreg:$0x1] =	wrdreg $0xFFFFFFFF  }
0xc9: {  	_ =	task.clear_ibuf [dreg:s11], $0x2FFFF;
	_ =	strace $0x9FFFFFFF  }
0xca: {  	(tm) =	ssettm $0x7FFFFFFF  }
0xcb: {  	_ =	shalt  }
tec
execute0_lowered:
.L_overlay_start_1:
0x0: {  	(tag) =	ssettag $0x1  }
0x1: {  	s0 =	rddreg [dreg:$0x0]  }
0x2: {  	s11 =	rddreg [dreg:$0x1]  }
0x3: {  	s15 =	rddreg [dreg:$0x2]  }
0x4: {  	s19 =	rddreg [dreg:$0x3]  }
0x5: {  	s1 =	srdreg.scid;
	s5 =	rddreg [dreg:$0x4]  }
0x6: {  	s3 =	stileid.u32;
	s4 =	rddreg [dreg:$0x5];
	s6 =	simm.s32 $0x0  }
0x7: {  	s26 =	simm.s32 $0x3;
	s31 =	simm.s32 $0x0;
	s1 =	sand.u32 $0x1, s1  }
0x8: {  	s2 =	sshll.u32 s3, $0x1;
	s3 =	sshrl.u32 s3, $0x2;
	[smem:$0x7FF] =	sst s6  }
0x9: {  	s8 =	sadd.s32 $0x800, s11;
	s9 =	sadd.s32 $0x1000, s11;
	s10 =	sadd.s32 $0x1800, s11  }
0xa: {  	s11 =	sadd.s32 $0x2000, s11;
	s12 =	sadd.s32 $0x800, s15;
	s13 =	sadd.s32 $0x1000, s15  }
0xb: {  	s14 =	sadd.s32 $0x1800, s15;
	s15 =	sadd.s32 $0x2000, s15;
	s16 =	sadd.s32 $0x800, s19  }
0xc: {  	s17 =	sadd.s32 $0x1000, s19;
	s18 =	sadd.s32 $0x1800, s19;
	s19 =	sadd.s32 $0x2000, s19  }
0xd: {  	s20 =	sadd.s32 $0x800, s5;
	s21 =	sadd.s32 $0x1000, s5;
	s2 =	sor.u32 s1, s2  }
0xe: {  	s22 =	sadd.s32 $0x1800, s5;
	s3 =	smul.u32 $0x14000, s3;
	s7 =	sshll.u32 s2, $0x7  }
0xf: {  	s23 =	sadd.s32 $0x2000, s5;
	s1 =	ssub.s32 $0x2, s1;
	s7 =	sand.u32 $0x380, s7  }
0x10: {  	_ =	strace $0x80000047;
	s30 =	sshrl.u32 s1, $0x1;
	s3 =	sor.u32 s3, s7  }
0x11: {  	s2 =	sshll.u32 s2, $0x5;
	s1 =	ssub.s32 s1, s30;
	s3 =	sshrl.u32 s3, $0x3  }
0x12: {  	v1 =	vlaneseq.u32;
	s7 =	sadd.s32 s0, s2;
	s25 =	smax.u32 s1, $0x1;
	s3 =	sadd.s32 s3, s4  }
0x13: {  	v0 =	vimm.s32 $0x0;
	vm0 =	vmmov $0xffff;
	v1 =	vmul.u32 $0x8, v1;
	s0 =	simm.s32 $0x2;
	s4 =	simm.s32 $0x1;
	s24 =	sadd.s32 $0xC00, s3  }
.LBB2_1:
0x14: {  	[tilespmem:s6], [sflag:$0x3] =	stream.linear.gather [hbm4b:s7+s6], $0x100, $0x38;
	[tilespmem:$0x16900] =	vst v63  }
0x15: {  	_ =	swait.ge [sflag:s26], $0x100  }
0x16: {  	[sflag:s26] =	ssyncset.done $0x0  }
0x17: {  	[sflag:s26] =	ssyncadd.s32 $0xFFFFFF00  }
0x18: {  	v2 =	vld.msk [tilespmem:$0x1], $0x1;
	_ =	sdelay $0x4  }
0x19: {  	v3 =	vshrl.u32 v2, $0x3  }
0x1a: {  	v3 =	vmul.u32 $0x280, v3  }
0x1b: {  	v2 =	vand.u32 $0x7, v2  }
0x1c: {  	v2 =	vor.u32 v2, v3  }
0x1d: {  	v2 =	vperm.xlane v2, v0;
	_ =	sdelay $0x1  }
0x1e: {  	v2 =	vadd.s32 v1, v2;
	_ =	sdelay $0x3  }
0x1f: {  	s2 =	simm.s32 $0x100;
	s1 =	rddreg [dreg:$0x1]  }
0x20: {  	[tilespmem:s2], [sflag:$0x1] =	stream.indirect_vreg.gather [hbm4b:s1+s6], $0x80, v2, vm0, $0xb8;
	[tilespmem:$0x16900] =	vst v63  }
0x21: {  	s3 =	simm.s32 $0x900  }
0x22: {  	[tilespmem:s3], [sflag:$0x1] =	stream.indirect_vreg.gather [hbm4b:s8+s6], $0x80, v2, vm0, $0xb8;
	[tilespmem:$0x16900] =	vst v63  }
0x23: {  	s3 =	simm.s32 $0x1100  }
0x24: {  	[tilespmem:s3], [sflag:$0x1] =	stream.indirect_vreg.gather [hbm4b:s9+s6], $0x80, v2, vm0, $0xb8;
	[tilespmem:$0x16900] =	vst v63  }
0x25: {  	s3 =	simm.s32 $0x1900  }
0x26: {  	[tilespmem:s3], [sflag:$0x1] =	stream.indirect_vreg.gather [hbm4b:s10+s6], $0x80, v2, vm0, $0xb8;
	[tilespmem:$0x16900] =	vst v63  }
0x27: {  	s3 =	simm.s32 $0x2100  }
0x28: {  	[tilespmem:s3], [sflag:$0x1] =	stream.indirect_vreg.gather [hbm4b:s11+s6], $0x80, v2, vm0, $0xb8;
	[tilespmem:$0x16900] =	vst v63  }
0x29: {  	v2 =	vld.msk [tilespmem:$0x2], $0x1;
	_ =	sdelay $0x4  }
0x2a: {  	v3 =	vshrl.u32 v2, $0x3  }
0x2b: {  	v3 =	vmul.u32 $0x280, v3  }
0x2c: {  	v2 =	vand.u32 $0x7, v2  }
0x2d: {  	v2 =	vor.u32 v2, v3  }
0x2e: {  	v2 =	vperm.xlane v2, v0;
	_ =	sdelay $0x1  }
0x2f: {  	v2 =	vadd.s32 v1, v2;
	_ =	sdelay $0x3  }
0x30: {  	s2 =	rddreg [dreg:$0x2];
	s3 =	simm.s32 $0x2900  }
0x31: {  	[tilespmem:s3], [sflag:$0x1] =	stream.indirect_vreg.gather [hbm4b:s2+s6], $0x80, v2, vm0, $0xb8;
	[tilespmem:$0x16900] =	vst v63  }
0x32: {  	s3 =	simm.s32 $0x3100  }
0x33: {  	[tilespmem:s3], [sflag:$0x1] =	stream.indirect_vreg.gather [hbm4b:s12+s6], $0x80, v2, vm0, $0xb8;
	[tilespmem:$0x16900] =	vst v63  }
0x34: {  	s3 =	simm.s32 $0x3900  }
0x35: {  	[tilespmem:s3], [sflag:$0x1] =	stream.indirect_vreg.gather [hbm4b:s13+s6], $0x80, v2, vm0, $0xb8;
	[tilespmem:$0x16900] =	vst v63  }
0x36: {  	s3 =	simm.s32 $0x4100  }
0x37: {  	[tilespmem:s3], [sflag:$0x1] =	stream.indirect_vreg.gather [hbm4b:s14+s6], $0x80, v2, vm0, $0xb8;
	[tilespmem:$0x16900] =	vst v63  }
0x38: {  	s3 =	simm.s32 $0x4900  }
0x39: {  	[tilespmem:s3], [sflag:$0x1] =	stream.indirect_vreg.gather [hbm4b:s15+s6], $0x80, v2, vm0, $0xb8;
	[tilespmem:$0x16900] =	vst v63  }
0x3a: {  	v2 =	vld.msk [tilespmem:$0x3], $0x1;
	_ =	sdelay $0x4  }
0x3b: {  	v3 =	vshrl.u32 v2, $0x3  }
0x3c: {  	v3 =	vmul.u32 $0x280, v3  }
0x3d: {  	v2 =	vand.u32 $0x7, v2  }
0x3e: {  	v2 =	vor.u32 v2, v3  }
0x3f: {  	v2 =	vperm.xlane v2, v0;
	_ =	sdelay $0x1  }
0x40: {  	v2 =	vadd.s32 v1, v2;
	_ =	sdelay $0x3  }
0x41: {  	s28 =	simm.s32 $0x5100;
	s3 =	rddreg [dreg:$0x3]  }
0x42: {  	[tilespmem:s28], [sflag:$0x1] =	stream.indirect_vreg.gather [hbm4b:s3+s6], $0x80, v2, vm0, $0xb8;
	[tilespmem:$0x16900] =	vst v63  }
0x43: {  	s28 =	simm.s32 $0x5900  }
0x44: {  	[tilespmem:s28], [sflag:$0x1] =	stream.indirect_vreg.gather [hbm4b:s16+s6], $0x80, v2, vm0, $0xb8;
	[tilespmem:$0x16900] =	vst v63  }
0x45: {  	s28 =	simm.s32 $0x6100  }
0x46: {  	[tilespmem:s28], [sflag:$0x1] =	stream.indirect_vreg.gather [hbm4b:s17+s6], $0x80, v2, vm0, $0xb8;
	[tilespmem:$0x16900] =	vst v63  }
0x47: {  	s28 =	simm.s32 $0x6900  }
0x48: {  	[tilespmem:s28], [sflag:$0x1] =	stream.indirect_vreg.gather [hbm4b:s18+s6], $0x80, v2, vm0, $0xb8;
	[tilespmem:$0x16900] =	vst v63  }
0x49: {  	s28 =	simm.s32 $0x7100  }
0x4a: {  	[tilespmem:s28], [sflag:$0x1] =	stream.indirect_vreg.gather [hbm4b:s19+s6], $0x80, v2, vm0, $0xb8;
	[tilespmem:$0x16900] =	vst v63  }
0x4b: {  	v2 =	vld.msk [tilespmem:$0x0], $0x1;
	_ =	sdelay $0x4  }
0x4c: {  	v3 =	vshrl.u32 v2, $0x3  }
0x4d: {  	v3 =	vmul.u32 $0x280, v3  }
0x4e: {  	v2 =	vand.u32 $0x7, v2  }
0x4f: {  	v2 =	vor.u32 v2, v3  }
0x50: {  	v2 =	vperm.xlane v2, v0;
	_ =	sdelay $0x1  }
0x51: {  	v2 =	vadd.s32 v1, v2;
	_ =	sdelay $0x3  }
0x52: {  	s28 =	simm.s32 $0x7900  }
0x53: {  	[tilespmem:s28], [sflag:$0x1] =	stream.indirect_vreg.gather [hbm4b:s5+s6], $0x80, v2, vm0, $0xb8;
	[tilespmem:$0x16900] =	vst v63  }
0x54: {  	s28 =	simm.s32 $0x8100  }
0x55: {  	[tilespmem:s28], [sflag:$0x1] =	stream.indirect_vreg.gather [hbm4b:s20+s6], $0x80, v2, vm0, $0xb8;
	[tilespmem:$0x16900] =	vst v63  }
0x56: {  	s28 =	simm.s32 $0x8900  }
0x57: {  	[tilespmem:s28], [sflag:$0x1] =	stream.indirect_vreg.gather [hbm4b:s21+s6], $0x80, v2, vm0, $0xb8;
	[tilespmem:$0x16900] =	vst v63  }
0x58: {  	s28 =	simm.s32 $0x9100  }
0x59: {  	[tilespmem:s28], [sflag:$0x1] =	stream.indirect_vreg.gather [hbm4b:s22+s6], $0x80, v2, vm0, $0xb8;
	[tilespmem:$0x16900] =	vst v63  }
0x5a: {  	s28 =	simm.s32 $0x9900  }
0x5b: {  	[tilespmem:s28], [sflag:$0x1] =	stream.indirect_vreg.gather [hbm4b:s23+s6], $0x80, v2, vm0, $0xb8;
	[tilespmem:$0x16900] =	vst v63  }
0x5c: {  	v2 =	vld.msk [tilespmem:$0x81], $0x1;
	_ =	sdelay $0x4  }
0x5d: {  	v3 =	vshrl.u32 v2, $0x3  }
0x5e: {  	v3 =	vmul.u32 $0x280, v3  }
0x5f: {  	v2 =	vand.u32 $0x7, v2  }
0x60: {  	v2 =	vor.u32 v2, v3  }
0x61: {  	v2 =	vperm.xlane v2, v0;
	_ =	sdelay $0x1  }
0x62: {  	v2 =	vadd.s32 v1, v2;
	_ =	sdelay $0x3  }
0x63: {  	s28 =	simm.s32 $0xA100  }
0x64: {  	[tilespmem:s28], [sflag:$0x2] =	stream.indirect_vreg.gather [hbm4b:s1+s6], $0x80, v2, vm0, $0xb8;
	[tilespmem:$0x16900] =	vst v63  }
0x65: {  	s1 =	simm.s32 $0xA900  }
0x66: {  	[tilespmem:s1], [sflag:$0x2] =	stream.indirect_vreg.gather [hbm4b:s8+s6], $0x80, v2, vm0, $0xb8;
	[tilespmem:$0x16900] =	vst v63  }
0x67: {  	s1 =	simm.s32 $0xB100  }
0x68: {  	[tilespmem:s1], [sflag:$0x2] =	stream.indirect_vreg.gather [hbm4b:s9+s6], $0x80, v2, vm0, $0xb8;
	[tilespmem:$0x16900] =	vst v63  }
0x69: {  	s1 =	simm.s32 $0xB900  }
0x6a: {  	[tilespmem:s1], [sflag:$0x2] =	stream.indirect_vreg.gather [hbm4b:s10+s6], $0x80, v2, vm0, $0xb8;
	[tilespmem:$0x16900] =	vst v63  }
0x6b: {  	s1 =	simm.s32 $0xC100  }
0x6c: {  	[tilespmem:s1], [sflag:$0x2] =	stream.indirect_vreg.gather [hbm4b:s11+s6], $0x80, v2, vm0, $0xb8;
	[tilespmem:$0x16900] =	vst v63  }
0x6d: {  	v2 =	vld.msk [tilespmem:$0x82], $0x1;
	_ =	sdelay $0x4  }
0x6e: {  	v3 =	vshrl.u32 v2, $0x3  }
0x6f: {  	v3 =	vmul.u32 $0x280, v3  }
0x70: {  	v2 =	vand.u32 $0x7, v2  }
0x71: {  	v2 =	vor.u32 v2, v3  }
0x72: {  	v2 =	vperm.xlane v2, v0;
	_ =	sdelay $0x1  }
0x73: {  	v2 =	vadd.s32 v1, v2;
	_ =	sdelay $0x3  }
0x74: {  	s1 =	simm.s32 $0xC900  }
0x75: {  	[tilespmem:s1], [sflag:$0x2] =	stream.indirect_vreg.gather [hbm4b:s2+s6], $0x80, v2, vm0, $0xb8;
	[tilespmem:$0x16900] =	vst v63  }
0x76: {  	s2 =	simm.s32 $0xD100  }
0x77: {  	[tilespmem:s2], [sflag:$0x2] =	stream.indirect_vreg.gather [hbm4b:s12+s6], $0x80, v2, vm0, $0xb8;
	[tilespmem:$0x16900] =	vst v63  }
0x78: {  	s2 =	simm.s32 $0xD900  }
0x79: {  	[tilespmem:s2], [sflag:$0x2] =	stream.indirect_vreg.gather [hbm4b:s13+s6], $0x80, v2, vm0, $0xb8;
	[tilespmem:$0x16900] =	vst v63  }
0x7a: {  	s2 =	simm.s32 $0xE100  }
0x7b: {  	[tilespmem:s2], [sflag:$0x2] =	stream.indirect_vreg.gather [hbm4b:s14+s6], $0x80, v2, vm0, $0xb8;
	[tilespmem:$0x16900] =	vst v63  }
0x7c: {  	s2 =	simm.s32 $0xE900  }
0x7d: {  	[tilespmem:s2], [sflag:$0x2] =	stream.indirect_vreg.gather [hbm4b:s15+s6], $0x80, v2, vm0, $0xb8;
	[tilespmem:$0x16900] =	vst v63  }
0x7e: {  	v2 =	vld.msk [tilespmem:$0x83], $0x1;
	_ =	sdelay $0x4  }
0x7f: {  	v3 =	vshrl.u32 v2, $0x3  }
0x80: {  	v3 =	vmul.u32 $0x280, v3  }
0x81: {  	v2 =	vand.u32 $0x7, v2  }
0x82: {  	v2 =	vor.u32 v2, v3  }
0x83: {  	v2 =	vperm.xlane v2, v0;
	_ =	sdelay $0x1  }
0x84: {  	v2 =	vadd.s32 v1, v2;
	_ =	sdelay $0x3  }
0x85: {  	s2 =	simm.s32 $0xF100  }
0x86: {  	[tilespmem:s2], [sflag:$0x2] =	stream.indirect_vreg.gather [hbm4b:s3+s6], $0x80, v2, vm0, $0xb8;
	[tilespmem:$0x16900] =	vst v63  }
0x87: {  	s2 =	simm.s32 $0xF900  }
0x88: {  	[tilespmem:s2], [sflag:$0x2] =	stream.indirect_vreg.gather [hbm4b:s16+s6], $0x80, v2, vm0, $0xb8;
	[tilespmem:$0x16900] =	vst v63  }
0x89: {  	s3 =	simm.s32 $0x10100  }
0x8a: {  	[tilespmem:s3], [sflag:$0x2] =	stream.indirect_vreg.gather [hbm4b:s17+s6], $0x80, v2, vm0, $0xb8;
	[tilespmem:$0x16900] =	vst v63  }
0x8b: {  	s2 =	simm.s32 $0x10900  }
0x8c: {  	[tilespmem:s2], [sflag:$0x2] =	stream.indirect_vreg.gather [hbm4b:s18+s6], $0x80, v2, vm0, $0xb8;
	[tilespmem:$0x16900] =	vst v63  }
0x8d: {  	s3 =	simm.s32 $0x11100  }
0x8e: {  	[tilespmem:s3], [sflag:$0x2] =	stream.indirect_vreg.gather [hbm4b:s19+s6], $0x80, v2, vm0, $0xb8;
	[tilespmem:$0x16900] =	vst v63  }
0x8f: {  	v2 =	vld.msk [tilespmem:$0x80], $0x1;
	_ =	sdelay $0x4  }
0x90: {  	v3 =	vshrl.u32 v2, $0x3  }
0x91: {  	v3 =	vmul.u32 $0x280, v3  }
0x92: {  	v2 =	vand.u32 $0x7, v2  }
0x93: {  	v2 =	vor.u32 v2, v3  }
0x94: {  	v2 =	vperm.xlane v2, v0;
	_ =	sdelay $0x1  }
0x95: {  	v2 =	vadd.s32 v1, v2;
	_ =	sdelay $0x3  }
0x96: {  	s2 =	simm.s32 $0x11900  }
0x97: {  	[tilespmem:s2], [sflag:$0x2] =	stream.indirect_vreg.gather [hbm4b:s5+s6], $0x80, v2, vm0, $0xb8;
	[tilespmem:$0x16900] =	vst v63  }
0x98: {  	s3 =	simm.s32 $0x12100  }
0x99: {  	[tilespmem:s3], [sflag:$0x2] =	stream.indirect_vreg.gather [hbm4b:s20+s6], $0x80, v2, vm0, $0xb8;
	[tilespmem:$0x16900] =	vst v63  }
0x9a: {  	s2 =	simm.s32 $0x12900  }
0x9b: {  	[tilespmem:s2], [sflag:$0x2] =	stream.indirect_vreg.gather [hbm4b:s21+s6], $0x80, v2, vm0, $0xb8;
	[tilespmem:$0x16900] =	vst v63  }
0x9c: {  	s3 =	simm.s32 $0x13100  }
0x9d: {  	[tilespmem:s3], [sflag:$0x2] =	stream.indirect_vreg.gather [hbm4b:s22+s6], $0x80, v2, vm0, $0xb8;
	[tilespmem:$0x16900] =	vst v63  }
0x9e: {  	s2 =	simm.s32 $0x13900  }
0x9f: {  	[tilespmem:s2], [sflag:$0x2] =	stream.indirect_vreg.gather [hbm4b:s23+s6], $0x80, v2, vm0, $0xb8;
	[tilespmem:$0x16900] =	vst v63  }
0xa0: {  	_ =	swait.ge [sflag:s4], $0x2800  }
0xa1: {  	[sflag:s4] =	ssyncset.done $0x0  }
0xa2: {  	[sflag:s4] =	ssyncadd.s32 $0xFFFFD800  }
0xa3: {  	_ =	swait.ge [sflag:s4], $0x2800  }
0xa4: {  	[sflag:s4] =	ssyncset.done $0x0  }
0xa5: {  	[sflag:s4] =	ssyncadd.s32 $0xFFFFD800  }
0xa6: {  	_ =	swait.ge [sflag:s4], $0x2800  }
0xa7: {  	[sflag:s4] =	ssyncset.done $0x0  }
0xa8: {  	[sflag:s4] =	ssyncadd.s32 $0xFFFFD800  }
0xa9: {  	_ =	swait.ge [sflag:s4], $0x2800  }
0xaa: {  	[sflag:s4] =	ssyncset.done $0x0  }
0xab: {  	s3 =	simm.s32 $0x120;
	[sflag:s4] =	ssyncadd.s32 $0xFFFFD800  }
0xac: {  	s1 =	simm.s32 $0x2920;
	v2 =	vld [tilespmem:s3+$0x10]  }
0xad: {  	v3 =	vld [tilespmem:s1+$0x10]  }
0xae: {  	s28 =	simm.s32 $0x5120;
	v7 =	vld [tilespmem:s1+$0xFFFFFFE0]  }
0xaf: {  	v4 =	vld [tilespmem:s28+$0x10]  }
0xb0: {  	s29 =	simm.s32 $0x7920;
	v6 =	vld [tilespmem:s3+$0xFFFFFFF0]  }
0xb1: {  	v8 =	vld [tilespmem:s29+$0x10]  }
0xb2: {  	v9 =	vld [tilespmem:s1+$0xFFFFFFF0]  }
0xb3: {  	v10 =	vld [tilespmem:s3+$0x0]  }
0xb4: {  	v11 =	vld [tilespmem:s1+$0x0]  }
0xb5: {  	v12 =	vld [tilespmem:s3+$0xFFFFFFE0];
	v3 =	vadd.f32 v3, v2  }
0xb6: {  	v5 =	vld [tilespmem:s28+$0xFFFFFFF0]  }
0xb7: {  	v2 =	vld [tilespmem:s28+$0xFFFFFFE0];
	v4 =	vadd.f32 v4, v3  }
0xb8: {  	v3 =	vld [tilespmem:s28+$0x0]  }
0xb9: {  	v13 =	vmul.f32 v8, v4;
	v4 =	vld [tilespmem:s29+$0xFFFFFFE0];
	v8 =	vadd.f32 v9, v6  }
0xba: {  	s30 =	simm.s32 $0x14120;
	v6 =	vld [tilespmem:s29+$0xFFFFFFF0];
	v9 =	vadd.f32 v11, v10;
	v10 =	vadd.f32 v7, v12  }
0xbb: {  	s2 =	simm.s32 $0x0;
	s3 =	simm.s32 $0x160;
	v7 =	vld [tilespmem:s29+$0x0];
	[tilespmem:s30+$0x10] =	vst v13  }
.LBB2_2:
0xbc: {  	v11 =	vld [tilespmem:s3+$0x10];
	v2 =	vadd.f32 v2, v10;
	v5 =	vadd.f32 v5, v8;
	s1 =	sadd.s32 $0x40, s1  }
0xbd: {  	s2 =	sadd.s32 $0x4, s2;
	v8 =	vld [tilespmem:s1+$0x10];
	v3 =	vadd.f32 v3, v9  }
0xbe: {  	s28 =	sadd.s32 $0x40, s28;
	p0 =	slt.u32 s2, $0x27C;
	v10 =	vld [tilespmem:s1+$0xFFFFFFE0];
	v2 =	vmul.f32 v4, v2  }
0xbf: {  	v4 =	vld [tilespmem:s28+$0x10];
	v5 =	vmul.f32 v6, v5  }
0xc0: {  	s29 =	sadd.s32 $0x40, s29;
	v6 =	vld [tilespmem:s3+$0xFFFFFFF0];
	[tilespmem:s30+$0xFFFFFFE0] =	vst v2;
	v2 =	vmul.f32 v7, v3  }
0xc1: {  	v3 =	vld [tilespmem:s29+$0x10];
	[tilespmem:s30+$0xFFFFFFF0] =	vst v5  }
0xc2: {  	v5 =	vld [tilespmem:s1+$0xFFFFFFF0];
	v7 =	vadd.f32 v8, v11;
	[tilespmem:s30+$0x0] =	vst v2  }
0xc3: {  	v9 =	vld [tilespmem:s3+$0x0]  }
0xc4: {  	v11 =	vld [tilespmem:s1+$0x0];
	v4 =	vadd.f32 v4, v7  }
0xc5: {  	v7 =	vld [tilespmem:s3+$0xFFFFFFE0]  }
0xc6: {  	v2 =	vld [tilespmem:s28+$0xFFFFFFE0];
	v4 =	vmul.f32 v3, v4  }
.Ltmp0:
0xc7: {  	s30 =	sadd.s32 $0x40, s30;
	v8 =	vadd.f32 v5, v6;
	v5 =	vld [tilespmem:s28+$0xFFFFFFF0];
	(pc) =	sbr.rel @p0 .LBB2_2-.Ltmp0, $4  }
0xc8: {  	v3 =	vld [tilespmem:s28+$0x0];
	[tilespmem:s30+$0x10] =	vst v4  }
0xc9: {  	v4 =	vld [tilespmem:s29+$0xFFFFFFE0];
	v9 =	vadd.f32 v11, v9  }
0xca: {  	v10 =	vadd.f32 v10, v7;
	v6 =	vld [tilespmem:s29+$0xFFFFFFF0]  }
0xcb: {  	s3 =	sadd.s32 $0x40, s3;
	v7 =	vld [tilespmem:s29+$0x0]  }
0xcc: {  	v2 =	vadd.f32 v2, v10  }
0xcd: {  	v5 =	vadd.f32 v5, v8  }
0xce: {  	v3 =	vadd.f32 v3, v9;
	v2 =	vmul.f32 v4, v2  }
0xcf: {  	v4 =	vmul.f32 v6, v5  }
0xd0: {  	[tilespmem:s30+$0xFFFFFFE0] =	vst v2;
	v2 =	vmul.f32 v7, v3  }
0xd1: {  	[tilespmem:s30+$0xFFFFFFF0] =	vst v4  }
0xd2: {  	[tilespmem:s30+$0x0] =	vst v2  }
0xd3: {  	_ =	swait.ge [sflag:s0], $0x2800  }
0xd4: {  	[sflag:s0] =	ssyncset.done $0x0  }
0xd5: {  	[sflag:s0] =	ssyncadd.s32 $0xFFFFD800  }
0xd6: {  	_ =	swait.ge [sflag:s0], $0x2800  }
0xd7: {  	[sflag:s0] =	ssyncset.done $0x0  }
0xd8: {  	[sflag:s0] =	ssyncadd.s32 $0xFFFFD800  }
0xd9: {  	_ =	swait.ge [sflag:s0], $0x2800  }
0xda: {  	[sflag:s0] =	ssyncset.done $0x0  }
0xdb: {  	[sflag:s0] =	ssyncadd.s32 $0xFFFFD800  }
0xdc: {  	_ =	swait.ge [sflag:s0], $0x2800  }
0xdd: {  	[sflag:s0] =	ssyncset.done $0x0  }
0xde: {  	s2 =	simm.s32 $0xA120;
	[sflag:s0] =	ssyncadd.s32 $0xFFFFD800  }
0xdf: {  	s28 =	simm.s32 $0xC920;
	v2 =	vld [tilespmem:s2+$0x10]  }
0xe0: {  	v3 =	vld [tilespmem:s28+$0x10]  }
0xe1: {  	s30 =	simm.s32 $0xF120;
	v4 =	vld [tilespmem:s2+$0xFFFFFFE0]  }
0xe2: {  	v5 =	vld [tilespmem:s30+$0x10]  }
0xe3: {  	s1 =	simm.s32 $0x11920;
	v6 =	vld [tilespmem:s28+$0xFFFFFFE0]  }
0xe4: {  	v7 =	vld [tilespmem:s1+$0x10]  }
0xe5: {  	s29 =	simm.s32 $0x14120;
	v8 =	vld [tilespmem:s2+$0xFFFFFFF0]  }
0xe6: {  	v9 =	vld [tilespmem:s29+$0x10]  }
0xe7: {  	v10 =	vld [tilespmem:s28+$0xFFFFFFF0]  }
0xe8: {  	v11 =	vld [tilespmem:s2+$0x0]  }
0xe9: {  	v12 =	vld [tilespmem:s28+$0x0]  }
0xea: {  	v13 =	vld [tilespmem:s30+$0xFFFFFFE0];
	v2 =	vadd.f32 v3, v2  }
0xeb: {  	v14 =	vld [tilespmem:s30+$0xFFFFFFF0]  }
0xec: {  	v15 =	vld [tilespmem:s30+$0x0];
	v2 =	vadd.f32 v5, v2  }
0xed: {  	v16 =	vld [tilespmem:s1+$0xFFFFFFE0]  }
0xee: {  	v4 =	vadd.f32 v6, v4;
	v5 =	vmul.f32 v7, v2;
	v2 =	vld [tilespmem:s1+$0xFFFFFFF0]  }
0xef: {  	v6 =	vadd.f32 v10, v8;
	v3 =	vld [tilespmem:s1+$0x0]  }
0xf0: {  	v8 =	vadd.f32 v12, v11;
	v10 =	vadd.f32 v13, v4;
	v7 =	vmul.f32 v5, v9;
	v5 =	vld [tilespmem:s29+$0xFFFFFFF0]  }
0xf1: {  	v4 =	vld [tilespmem:s29+$0x0];
	v9 =	vadd.f32 v14, v6  }
0xf2: {  	s3 =	simm.s32 $0xA160;
	s2 =	simm.s32 $0x0;
	v8 =	vadd.f32 v15, v8;
	v6 =	vld [tilespmem:s29+$0xFFFFFFE0];
	[tilespmem:s29+$0x10] =	vst v7;
	v7 =	vmul.f32 v16, v10  }
.LBB2_4:
0xf3: {  	v10 =	vld [tilespmem:s3+$0x10];
	v2 =	vmul.f32 v2, v9;
	s28 =	sadd.s32 $0x40, s28  }
0xf4: {  	s2 =	sadd.s32 $0x4, s2;
	v9 =	vld [tilespmem:s28+$0x10];
	v3 =	vmul.f32 v3, v8  }
0xf5: {  	s30 =	sadd.s32 $0x40, s30;
	p0 =	slt.u32 s2, $0x27C;
	v8 =	vld [tilespmem:s3+$0xFFFFFFE0];
	v2 =	vmul.f32 v2, v5  }
0xf6: {  	v5 =	vld [tilespmem:s30+$0x10];
	v3 =	vmul.f32 v3, v4  }
0xf7: {  	s1 =	sadd.s32 $0x40, s1;
	v4 =	vld [tilespmem:s28+$0xFFFFFFE0];
	v6 =	vmul.f32 v7, v6;
	[tilespmem:s29+$0xFFFFFFF0] =	vst v2  }
0xf8: {  	v2 =	vld [tilespmem:s1+$0x10];
	[tilespmem:s29+$0x0] =	vst v3  }
0xf9: {  	v3 =	vld [tilespmem:s3+$0xFFFFFFF0];
	v7 =	vadd.f32 v9, v10;
	[tilespmem:s29+$0xFFFFFFE0] =	vst v6;
	s29 =	sadd.s32 $0x40, s29  }
0xfa: {  	v6 =	vld [tilespmem:s29+$0x10]  }
0xfb: {  	v9 =	vld [tilespmem:s28+$0xFFFFFFF0];
	v5 =	vadd.f32 v5, v7  }
0xfc: {  	v4 =	vadd.f32 v4, v8;
	v7 =	vld [tilespmem:s3+$0x0]  }
0xfd: {  	v8 =	vld [tilespmem:s28+$0x0];
	v2 =	vmul.f32 v2, v5  }
0xfe: {  	v5 =	vld [tilespmem:s30+$0xFFFFFFE0]  }
0xff: {  	v10 =	vld [tilespmem:s30+$0xFFFFFFF0];
	v2 =	vmul.f32 v2, v6  }
0x100: {  	v6 =	vadd.f32 v9, v3;
	v11 =	vld [tilespmem:s30+$0x0]  }
0x101: {  	v12 =	vld [tilespmem:s1+$0xFFFFFFE0];
	[tilespmem:s29+$0x10] =	vst v2  }
.Ltmp1:
0x102: {  	v2 =	vld [tilespmem:s1+$0xFFFFFFF0];
	v7 =	vadd.f32 v8, v7;
	(pc) =	sbr.rel @p0 .LBB2_4-.Ltmp1, $4  }
0x103: {  	v13 =	vadd.f32 v5, v4;
	v3 =	vld [tilespmem:s1+$0x0]  }
0x104: {  	v5 =	vld [tilespmem:s29+$0xFFFFFFF0];
	v9 =	vadd.f32 v10, v6  }
0x105: {  	v4 =	vld [tilespmem:s29+$0x0];
	v8 =	vadd.f32 v11, v7  }
0x106: {  	s3 =	sadd.s32 $0x40, s3;
	v6 =	vld [tilespmem:s29+$0xFFFFFFE0];
	v7 =	vmul.f32 v12, v13  }
0x107: {  	v2 =	vmul.f32 v2, v9  }
0x108: {  	v3 =	vmul.f32 v3, v8  }
0x109: {  	v2 =	vmul.f32 v2, v5  }
0x10a: {  	v3 =	vmul.f32 v3, v4  }
0x10b: {  	s31 =	sadd.s32 $0x1, s31;
	v63 =	vmul.f32 v7, v6;
	[tilespmem:s29+$0xFFFFFFF0] =	vst v2  }
0x10c: {  	s1 =	simm.s32 $0x80;
	p0 =	sne.s32 s31, s25;
	[tilespmem:s29+$0x0] =	vst v3  }
.Ltmp2:
0x10d: {  	s2 =	simm.s32 $0x400;
	s3 =	simm.s32 $0x14100;
	[tilespmem:s29+$0xFFFFFFE0] =	vst v63;
	(pc) =	sbr.rel @p0 .LBB2_1-.Ltmp2, $4  }
0x10e: {  	[hbm4b:s24+s1] =	stream.strided.scatter [tilespmem:s3], [sflag:$0x3], $0x2800, s2, s1, $0x38;
	[tilespmem:$0x16900] =	vst v63  }
0x10f: {  	_ =	swait.ge [sflag:s26], $0x2800  }
0x110: {  	[sflag:s26] =	ssyncset.done $0x0  }
0x111: {  	[sflag:s26] =	ssyncadd.s32 $0xFFFFD800  }
0x112: {  	_ =	sfence.sel $0x180000  }
0x113: {  	[bflag:$0x0] =	sbarrier.arrive $0xFFFF  }
0x114: {  	_ =	strace $0x90000047  }
0x115: {  	s0 =	stileid.u32;
	[bflag:$0x2] =	sbarrier.arrive $0xFFFF  }
0x116: {  	p0 =	sne.s32 s0, $0x0;
	s0 =	rddreg [dreg:$0x6]  }
0x117: {  	s0 =	sadd.s32 @!p0 $0x100000, s0  }
0x118: {  	[sflag:s0] =	ssyncadd.tile.s32 @!p0 $0x1;
	_ =	shalt  }
.Lfunc_end2:
_tile_overlayer_lowered:
.L_overlay_start_2:
0x119: {  	(tag) =	ssettag $0x2  }
0x11a: {  	s0 =	rddreg [dreg:$0x0];
	s2 =	stileid.u32  }
0x11b: {  	s1 =	rddreg [dreg:$0x1];
	p0 =	sne.s32 s2, $0x0  }
0x11c: {  	s3 =	rddreg [dreg:$0x2];
	[bflag:$0x3] =	sbarrier.arrive $0xFFFF;
	s2 =	simm.s32 @!p0 $0x1C03  }
0x11d: {  	[timem:s3], [sflag:s2] =	dma.local @!p0 [hbm:s0], s1  }
0x11e: {  	s0 =	simm.s32 @!p0 $0x3  }
0x11f: {  	_ =	swait.ge @!p0 [sflag:s0], s1  }
0x120: {  	s1 =	ssub.s32 @!p0 $0x0, s1;
	[sflag:s0] =	ssyncset.done @!p0 $0x0  }
0x121: {  	[sflag:s0] =	ssyncadd.s32 @!p0 s1  }
0x122: {  	[bflag:$0x3] =	sbarrier.arrive $0xFFFF  }
0x123: {  	_ =	shalt  }

</sc_bundles>
